<compile_context>
chip_gen: v7x
topology: tpu7x:2x2x1
jax: 0.10.2.dev20260603
libtpu: 0.0.44.dev20260713+nightly
codegen_flags: <defaults>
</compile_context>

<pallas_src>
import functools

import jax
import jax.numpy as jnp
from jax import lax
from jax.experimental import pallas as pl
from jax.experimental.pallas import tpu as pltpu
from jax.experimental.pallas import tpu_sc as plsc

N_NODES = 10000
DIM = 128
N_PAD = 10240
NW = 32
CH = 128
ROWS_PER_TILE = N_PAD // 16

_mesh = plsc.VectorSubcoreMesh(core_axis_name="c", subcore_axis_name="s",
                               num_cores=2, num_subcores=16)


def _deg_body(chunks, dst3_hbm, ones_hbm, z1_hbm, deg_out, didx_v, ones_v,
              tmp_v, deg_sh):
    c = lax.axis_index("c")
    s = lax.axis_index("s")
    wid = s * 2 + c
    pltpu.sync_copy(z1_hbm, tmp_v)
    pltpu.sync_copy(tmp_v, deg_sh.at[pl.ds(s * ROWS_PER_TILE, ROWS_PER_TILE)])
    pltpu.sync_copy(ones_hbm, ones_v)
    pltpu.sync_copy(dst3_hbm.at[wid], didx_v)
    plsc.subcore_barrier()

    def chunk(i, carry):
        pltpu.sync_copy(ones_v, deg_sh.at[didx_v.at[i]], add=True)
        return carry

    lax.fori_loop(0, chunks, chunk, 0)
    plsc.subcore_barrier()
    sl = pl.ds(s * ROWS_PER_TILE, ROWS_PER_TILE)
    pltpu.sync_copy(deg_sh.at[sl], tmp_v)
    pltpu.sync_copy(tmp_v, deg_out.at[c, sl])


def _make_deg(chunks):
    return pl.kernel(
        functools.partial(_deg_body, chunks),
        out_type=jax.ShapeDtypeStruct((2, N_PAD), jnp.float32),
        mesh=_mesh,
        scratch_types=[
            pltpu.VMEM((chunks, CH), jnp.int32),
            pltpu.VMEM((CH,), jnp.float32),
            pltpu.VMEM((ROWS_PER_TILE,), jnp.float32),
            pltpu.VMEM_SHARED((N_PAD,), jnp.float32),
        ],
    )


def _spmm_body(chunks, y_hbm, src3_hbm, dst3_hbm, z2_hbm, out0, out1,
               sidx_v, didx_v, rows_v, agg_sh, sem):
    c = lax.axis_index("c")
    s = lax.axis_index("s")
    wid = s * 2 + c
    sl = pl.ds(s * ROWS_PER_TILE, ROWS_PER_TILE)
    pltpu.sync_copy(z2_hbm, agg_sh.at[sl])
    plsc.subcore_barrier()
    def chunk(i, carry):
        pltpu.sync_copy(src3_hbm.at[wid, i], sidx_v)
        pltpu.sync_copy(dst3_hbm.at[wid, i], didx_v)
        pltpu.async_copy(y_hbm.at[sidx_v], rows_v, sem).wait()
        pltpu.sync_copy(rows_v, agg_sh.at[didx_v], add=True)
        return carry

    lax.fori_loop(0, chunks, chunk, 0)
    plsc.subcore_barrier()

    @pl.when(c == 0)
    def _():
        pltpu.sync_copy(agg_sh.at[sl], out0.at[sl])

    @pl.when(c == 1)
    def _():
        pltpu.sync_copy(agg_sh.at[sl], out1.at[sl])


def _make_spmm(chunks):
    return pl.kernel(
        functools.partial(_spmm_body, chunks),
        out_type=(jax.ShapeDtypeStruct((N_PAD, DIM), jnp.float32),
                  jax.ShapeDtypeStruct((N_PAD, DIM), jnp.float32)),
        mesh=_mesh,
        scratch_types=[
            pltpu.VMEM((CH,), jnp.int32),
            pltpu.VMEM((CH,), jnp.int32),
            pltpu.VMEM((CH, DIM), jnp.float32),
            pltpu.VMEM_SHARED((N_PAD, DIM), jnp.float32),
            pltpu.SemaphoreType.DMA,
        ],
    )


BN = 512
GRID = N_PAD // BN


def _norm_block(deg_ref):
    d = deg_ref[0, :] + deg_ref[1, :]
    return lax.rsqrt(jnp.maximum(d, 1.0))[:, None]


def _mm1_body(deg_ref, x_ref, w_ref, y_ref):
    norm = _norm_block(deg_ref)
    y_ref[...] = jnp.dot(x_ref[...], w_ref[...],
                         preferred_element_type=jnp.float32) * norm


def _mid_body(deg_ref, a0_ref, a1_ref, b_ref, w_ref, y_ref):
    norm = _norm_block(deg_ref)
    h = jnp.maximum((a0_ref[...] + a1_ref[...]) * norm + b_ref[...], 0.0)
    y_ref[...] = jnp.dot(h, w_ref[...],
                         preferred_element_type=jnp.float32) * norm


def _fin_body(deg_ref, a0_ref, a1_ref, b_ref, o_ref):
    norm = _norm_block(deg_ref)
    o_ref[...] = (a0_ref[...] + a1_ref[...]) * norm + b_ref[...]


_deg_spec = pl.BlockSpec((2, BN), lambda i: (0, i))
_row_spec = pl.BlockSpec((BN, DIM), lambda i: (i, 0))
_full_spec = pl.BlockSpec((DIM, DIM), lambda i: (0, 0))
_bias_spec = pl.BlockSpec((1, DIM), lambda i: (0, 0))
_out_struct = jax.ShapeDtypeStruct((N_PAD, DIM), jnp.float32)

_mm1 = pl.pallas_call(
    _mm1_body, grid=(GRID,),
    in_specs=[_deg_spec, _row_spec, _full_spec],
    out_specs=_row_spec, out_shape=_out_struct)

_mid = pl.pallas_call(
    _mid_body, grid=(GRID,),
    in_specs=[_deg_spec, _row_spec, _row_spec, _bias_spec, _full_spec],
    out_specs=_row_spec, out_shape=_out_struct)

_fin = pl.pallas_call(
    _fin_body, grid=(GRID,),
    in_specs=[_deg_spec, _row_spec, _row_spec, _bias_spec],
    out_specs=_row_spec, out_shape=_out_struct)


def kernel(V, E, X, W1, b1, W2, b2):
    ne = E.shape[1]
    per_tile = -(-ne // NW)
    per_tile = -(-per_tile // (4 * CH)) * (4 * CH)
    ne_pad = per_tile * NW
    chunks = per_tile // CH

    pad_idx = jnp.full((ne_pad - ne,), N_PAD - 1, dtype=jnp.int32)
    src = jnp.concatenate([E[0], pad_idx]).reshape(NW, chunks, CH)
    dst = jnp.concatenate([E[1], pad_idx]).reshape(NW, chunks, CH)
    x_pad = jnp.zeros((N_PAD, DIM), X.dtype).at[:N_NODES].set(X)

    ones_ch = jnp.ones((CH,), jnp.float32)
    z1 = jnp.zeros((ROWS_PER_TILE,), jnp.float32)
    z2 = jnp.zeros((ROWS_PER_TILE, DIM), jnp.float32)
    b1r = b1.reshape(1, DIM)
    b2r = b2.reshape(1, DIM)

    deg = _make_deg(chunks)(dst, ones_ch, z1)
    y1 = _mm1(deg, x_pad, W1)
    spmm = _make_spmm(chunks)
    a10, a11 = spmm(y1, src, dst, z2)
    y2 = _mid(deg, a10, a11, b1r, W2)
    a20, a21 = spmm(y2, src, dst, z2)
    out = _fin(deg, a20, a21, b2r)
    return out[:N_NODES]

# --- scband reference (transcript-rebuilt; emitter-appended) ---
"""Pipeline reference for scband-gcn-2-3246995276080 (READ-ONLY COPY).

The authoritative reference and input builder live on the scoring server;
editing this copy changes nothing except your own understanding.
"""

import jax, jax.numpy as jnp
import numpy as np

N = 10000
D_IN = 128
D_HID = 128
D_OUT = 128
NUM_EDGES = 320000


def gcn_layer(V, E, X, W, b):
    # Standard GCN message passing with symmetric degree normalization:
    # H = D^{-1/2} A D^{-1/2} X W + b, implemented as gather -> scale -> scatter-add.
    src = E[0]
    dst = E[1]
    n = X.shape[0]
    deg = jnp.zeros((n,), dtype=X.dtype).at[dst].add(1.0)
    deg = jnp.maximum(deg, 1.0)
    norm = jax.lax.rsqrt(deg)
    coef = norm[src] * norm[dst]
    msg = X[src] * coef[:, None]
    agg = jnp.zeros((n, X.shape[1]), dtype=X.dtype).at[dst].add(msg)
    return agg @ W + b


def setup_inputs(seed: int = 0) -> dict:
    key = jax.random.key(seed)
    k1, k2, k3, k4, k5 = jax.random.split(key, 5)
    V = jnp.arange(N, dtype=jnp.int32)
    E = jax.random.randint(k1, (2, NUM_EDGES), 0, N, dtype=jnp.int32)
    X = jax.random.normal(k2, (N, D_IN), dtype=jnp.float32)
    W1 = jax.random.normal(k3, (D_IN, D_HID), dtype=jnp.float32) * (1.0 / np.sqrt(D_IN))
    b1 = jnp.zeros((D_HID,), dtype=jnp.float32)
    W2 = jax.random.normal(k4, (D_HID, D_OUT), dtype=jnp.float32) * (1.0 / np.sqrt(D_HID))
    b2 = jnp.zeros((D_OUT,), dtype=jnp.float32)
    return {"V": V, "E": E, "X": X, "W1": W1, "b1": b1, "W2": W2, "b2": b2}


def reference(V, E, X, W1, b1, W2, b2):
    # num_layers == 2: H = relu(layer0(V, E, X)); return layer1(V, E, H)
    H = jax.nn.relu(gcn_layer(V, E, X, W1, b1))
    out = gcn_layer(V, E, H, W2, b2)
    return out

if __name__ == "__main__":
    import jax
    _d = setup_inputs()
    print(jax.jit(kernel)(*tuple(_d.values())))

</pallas_src>

<mosaic_0001>
#map = affine_map<(d0, d1) -> (0, 0)>
#map1 = affine_map<(d0, d1) -> (0, 0, 0)>
module attributes {stable_mosaic.version = 14 : i64} {
  func.func @_spmm_body(%arg0: i32, %arg1: i32, %arg2: memref<10240x128xf32, #tpu.memory_space<hbm>>, %arg3: memref<32x80x128xi32, #tpu.memory_space<hbm>>, %arg4: memref<32x80x128xi32, #tpu.memory_space<hbm>>, %arg5: memref<640x128xf32, #tpu.memory_space<hbm>>, %arg6: memref<10240x128xf32, #tpu.memory_space<hbm>>, %arg7: memref<10240x128xf32, #tpu.memory_space<hbm>>, %arg8: memref<128xi32, #tpu.memory_space<vmem>>, %arg9: memref<128xi32, #tpu.memory_space<vmem>>, %arg10: memref<128x128xf32, #tpu.memory_space<vmem>>, %arg11: memref<10240x128xf32, #tpu.memory_space<vmem_shared>>, %arg12: memref<!tpu.dma_semaphore, #tpu.memory_space<semaphore_mem>>) attributes {dimension_semantics = [#tpu.dimension_semantics<core_parallel>, #tpu.dimension_semantics<subcore_parallel>], iteration_bounds = array<i64: 2, 16>, scalar_prefetch = 0 : i64, scratch_operands = 5 : i64, tpu.core_type = #tpu.core_type<sc_vector_subcore>, window_params = [{transform_indices = #map}, {transform_indices = #map1}, {transform_indices = #map1}, {transform_indices = #map}, {transform_indices = #map}, {transform_indices = #map}]} {
    %mul3A = arith.constant 2 : i32
    %mul3A_0 = arith.muli %arg1, %mul3A : i32
    %add3A = arith.addi %mul3A_0, %arg0 : i32
    %mul3A_1 = arith.constant 640 : i32
    %mul3A_2 = arith.muli %arg1, %mul3A_1 : i32
    "tpu.region"() ({
      %run_scoped3A = tpu.sem_alloc : memref<!tpu.dma_semaphore, #tpu.memory_space<semaphore_mem>>
      %dma_start3A = arith.constant 0 : i32
      %dma_start3A_16 = tpu.memref_slice %arg11[%mul3A_2, %dma_start3A] : memref<10240x128xf32, #tpu.memory_space<vmem_shared>> -> memref<640x128xf32, #tpu.memory_space<vmem_shared>>
      tpu.enqueue_dma source(%arg5 : memref<640x128xf32, #tpu.memory_space<hbm>>) target(%dma_start3A_16 : memref<640x128xf32, #tpu.memory_space<vmem_shared>>) target_semaphore(%run_scoped3A : memref<!tpu.dma_semaphore, #tpu.memory_space<semaphore_mem>>)
      %dma_wait3A = arith.constant 0 : i32
      %dma_wait3A_17 = tpu.memref_slice %arg11[%mul3A_2, %dma_wait3A] : memref<10240x128xf32, #tpu.memory_space<vmem_shared>> -> memref<640x128xf32, #tpu.memory_space<vmem_shared>>
      tpu.wait_dma2 semaphore(%run_scoped3A : memref<!tpu.dma_semaphore, #tpu.memory_space<semaphore_mem>>) src(%arg5 : memref<640x128xf32, #tpu.memory_space<hbm>>) dst(%dma_wait3A_17 : memref<640x128xf32, #tpu.memory_space<vmem_shared>>)
      tpu.yield
    }) : () -> ()
    %barrier3A = arith.constant 0 : index
    tpu.barrier barrier_id(%barrier3A)
    %scan3A = arith.constant 0 : i32
    %scan3A_3 = arith.constant 0 : i32
    %scan3A_4 = arith.constant 80 : i32
    %scan3A_5 = arith.addi %scan3A_3, %scan3A_4 : i32
    %scan3A_6 = arith.constant 1 : i32
    scf.for %scan3A_16 = %scan3A_3 to %scan3A_5 step %scan3A_6  : i32 {
      "tpu.region"() ({
        %run_scoped3A = tpu.sem_alloc : memref<!tpu.dma_semaphore, #tpu.memory_space<semaphore_mem>>
        %dma_start3A_21 = arith.constant 0 : i32
        %dma_start3A_22 = tpu.memref_slice %arg3[%add3A, %scan3A_16, %dma_start3A_21] : memref<32x80x128xi32, #tpu.memory_space<hbm>> -> memref<1x1x128xi32, #tpu.memory_space<hbm>>
        %dma_start3A_23 = tpu.memref_squeeze %dma_start3A_22 : memref<1x1x128xi32, #tpu.memory_space<hbm>> -> memref<128xi32, #tpu.memory_space<hbm>>
        %dma_start3A_24 = arith.constant 0 : i32
        %dma_start3A_25 = tpu.memref_slice %arg3[%add3A, %scan3A_16, %dma_start3A_24] : memref<32x80x128xi32, #tpu.memory_space<hbm>> -> memref<1x1x128xi32, #tpu.memory_space<hbm>>
        %dma_start3A_26 = tpu.memref_squeeze %dma_start3A_25 : memref<1x1x128xi32, #tpu.memory_space<hbm>> -> memref<128xi32, #tpu.memory_space<hbm>>
        tpu.enqueue_dma source(%dma_start3A_26 : memref<128xi32, #tpu.memory_space<hbm>>) target(%arg8 : memref<128xi32, #tpu.memory_space<vmem>>) target_semaphore(%run_scoped3A : memref<!tpu.dma_semaphore, #tpu.memory_space<semaphore_mem>>)
        %dma_wait3A_27 = arith.constant 0 : i32
        %dma_wait3A_28 = tpu.memref_slice %arg3[%add3A, %scan3A_16, %dma_wait3A_27] : memref<32x80x128xi32, #tpu.memory_space<hbm>> -> memref<1x1x128xi32, #tpu.memory_space<hbm>>
        %dma_wait3A_29 = tpu.memref_squeeze %dma_wait3A_28 : memref<1x1x128xi32, #tpu.memory_space<hbm>> -> memref<128xi32, #tpu.memory_space<hbm>>
        %dma_wait3A_30 = arith.constant 0 : i32
        %dma_wait3A_31 = tpu.memref_slice %arg3[%add3A, %scan3A_16, %dma_wait3A_30] : memref<32x80x128xi32, #tpu.memory_space<hbm>> -> memref<1x1x128xi32, #tpu.memory_space<hbm>>
        %dma_wait3A_32 = tpu.memref_squeeze %dma_wait3A_31 : memref<1x1x128xi32, #tpu.memory_space<hbm>> -> memref<128xi32, #tpu.memory_space<hbm>>
        tpu.wait_dma2 semaphore(%run_scoped3A : memref<!tpu.dma_semaphore, #tpu.memory_space<semaphore_mem>>) src(%dma_wait3A_32 : memref<128xi32, #tpu.memory_space<hbm>>) dst(%arg8 : memref<128xi32, #tpu.memory_space<vmem>>)
        tpu.yield
      }) : () -> ()
      "tpu.region"() ({
        %run_scoped3A = tpu.sem_alloc : memref<!tpu.dma_semaphore, #tpu.memory_space<semaphore_mem>>
        %dma_start3A_21 = arith.constant 0 : i32
        %dma_start3A_22 = tpu.memref_slice %arg4[%add3A, %scan3A_16, %dma_start3A_21] : memref<32x80x128xi32, #tpu.memory_space<hbm>> -> memref<1x1x128xi32, #tpu.memory_space<hbm>>
        %dma_start3A_23 = tpu.memref_squeeze %dma_start3A_22 : memref<1x1x128xi32, #tpu.memory_space<hbm>> -> memref<128xi32, #tpu.memory_space<hbm>>
        %dma_start3A_24 = arith.constant 0 : i32
        %dma_start3A_25 = tpu.memref_slice %arg4[%add3A, %scan3A_16, %dma_start3A_24] : memref<32x80x128xi32, #tpu.memory_space<hbm>> -> memref<1x1x128xi32, #tpu.memory_space<hbm>>
        %dma_start3A_26 = tpu.memref_squeeze %dma_start3A_25 : memref<1x1x128xi32, #tpu.memory_space<hbm>> -> memref<128xi32, #tpu.memory_space<hbm>>
        tpu.enqueue_dma source(%dma_start3A_26 : memref<128xi32, #tpu.memory_space<hbm>>) target(%arg9 : memref<128xi32, #tpu.memory_space<vmem>>) target_semaphore(%run_scoped3A : memref<!tpu.dma_semaphore, #tpu.memory_space<semaphore_mem>>)
        %dma_wait3A_27 = arith.constant 0 : i32
        %dma_wait3A_28 = tpu.memref_slice %arg4[%add3A, %scan3A_16, %dma_wait3A_27] : memref<32x80x128xi32, #tpu.memory_space<hbm>> -> memref<1x1x128xi32, #tpu.memory_space<hbm>>
        %dma_wait3A_29 = tpu.memref_squeeze %dma_wait3A_28 : memref<1x1x128xi32, #tpu.memory_space<hbm>> -> memref<128xi32, #tpu.memory_space<hbm>>
        %dma_wait3A_30 = arith.constant 0 : i32
        %dma_wait3A_31 = tpu.memref_slice %arg4[%add3A, %scan3A_16, %dma_wait3A_30] : memref<32x80x128xi32, #tpu.memory_space<hbm>> -> memref<1x1x128xi32, #tpu.memory_space<hbm>>
        %dma_wait3A_32 = tpu.memref_squeeze %dma_wait3A_31 : memref<1x1x128xi32, #tpu.memory_space<hbm>> -> memref<128xi32, #tpu.memory_space<hbm>>
        tpu.wait_dma2 semaphore(%run_scoped3A : memref<!tpu.dma_semaphore, #tpu.memory_space<semaphore_mem>>) src(%dma_wait3A_32 : memref<128xi32, #tpu.memory_space<hbm>>) dst(%arg9 : memref<128xi32, #tpu.memory_space<vmem>>)
        tpu.yield
      }) : () -> ()
      %dma_start3A = arith.constant 0 : i32
      %dma_start3A_17 = arith.constant 0 : i32
      %dma_start3A_18 = tpu.memref_slice %arg2[%dma_start3A, %dma_start3A_17] : memref<10240x128xf32, #tpu.memory_space<hbm>> -> memref<10240x128xf32, #tpu.memory_space<hbm>>
      tpu.enqueue_indirect_dma source(%dma_start3A_18 : memref<10240x128xf32, #tpu.memory_space<hbm>>) target(%arg10 : memref<128x128xf32, #tpu.memory_space<vmem>>) offsets(%arg8 : memref<128xi32, #tpu.memory_space<vmem>>) semaphore(%arg12 : memref<!tpu.dma_semaphore, #tpu.memory_space<semaphore_mem>>)
      %dma_wait3A = arith.constant 0 : i32
      %dma_wait3A_19 = arith.constant 0 : i32
      %dma_wait3A_20 = tpu.memref_slice %arg2[%dma_wait3A, %dma_wait3A_19] : memref<10240x128xf32, #tpu.memory_space<hbm>> -> memref<10240x128xf32, #tpu.memory_space<hbm>>
      tpu.wait_indirect_dma semaphore(%arg12 : memref<!tpu.dma_semaphore, #tpu.memory_space<semaphore_mem>>) src(%dma_wait3A_20 : memref<10240x128xf32, #tpu.memory_space<hbm>>) dst(%arg10 : memref<128x128xf32, #tpu.memory_space<vmem>>)
      "tpu.region"() ({
        %run_scoped3A = tpu.sem_alloc : memref<!tpu.dma_semaphore, #tpu.memory_space<semaphore_mem>>
        %dma_start3A_21 = arith.constant 0 : i32
        %dma_start3A_22 = arith.constant 0 : i32
        %dma_start3A_23 = tpu.memref_slice %arg11[%dma_start3A_21, %dma_start3A_22] : memref<10240x128xf32, #tpu.memory_space<vmem_shared>> -> memref<10240x128xf32, #tpu.memory_space<vmem_shared>>
        tpu.enqueue_indirect_dma source(%arg10 : memref<128x128xf32, #tpu.memory_space<vmem>>) target(%dma_start3A_23 : memref<10240x128xf32, #tpu.memory_space<vmem_shared>>) offsets(%arg9 : memref<128xi32, #tpu.memory_space<vmem>>) semaphore(%run_scoped3A : memref<!tpu.dma_semaphore, #tpu.memory_space<semaphore_mem>>) {add = true}
        %dma_wait3A_24 = arith.constant 0 : i32
        %dma_wait3A_25 = arith.constant 0 : i32
        %dma_wait3A_26 = tpu.memref_slice %arg11[%dma_wait3A_24, %dma_wait3A_25] : memref<10240x128xf32, #tpu.memory_space<vmem_shared>> -> memref<10240x128xf32, #tpu.memory_space<vmem_shared>>
        tpu.wait_indirect_dma semaphore(%run_scoped3A : memref<!tpu.dma_semaphore, #tpu.memory_space<semaphore_mem>>) src(%arg10 : memref<128x128xf32, #tpu.memory_space<vmem>>) dst(%dma_wait3A_26 : memref<10240x128xf32, #tpu.memory_space<vmem_shared>>)
        tpu.yield
      }) : () -> ()
    }
    %scan3A_7 = arith.constant 80 : i32
    %barrier3A_8 = arith.constant 0 : index
    tpu.barrier barrier_id(%barrier3A_8)
    %eq3A = arith.constant 0 : i32
    %eq3A_9 = arith.cmpi eq, %arg0, %eq3A : i32
    %convert_element_type3A = arith.extui %eq3A_9 : i1 to i32
    %cond3A = arith.constant 0 : i32
    %cond3A_10 = arith.cmpi ne, %convert_element_type3A, %cond3A : i32
    scf.if %cond3A_10 {
      "tpu.region"() ({
        %run_scoped3A = tpu.sem_alloc : memref<!tpu.dma_semaphore, #tpu.memory_space<semaphore_mem>>
        %dma_start3A = arith.constant 0 : i32
        %dma_start3A_16 = tpu.memref_slice %arg6[%mul3A_2, %dma_start3A] : memref<10240x128xf32, #tpu.memory_space<hbm>> -> memref<640x128xf32, #tpu.memory_space<hbm>>
        %dma_start3A_17 = arith.constant 0 : i32
        %dma_start3A_18 = tpu.memref_slice %arg11[%mul3A_2, %dma_start3A_17] : memref<10240x128xf32, #tpu.memory_space<vmem_shared>> -> memref<640x128xf32, #tpu.memory_space<vmem_shared>>
        tpu.enqueue_dma source(%dma_start3A_18 : memref<640x128xf32, #tpu.memory_space<vmem_shared>>) target(%dma_start3A_16 : memref<640x128xf32, #tpu.memory_space<hbm>>) target_semaphore(%run_scoped3A : memref<!tpu.dma_semaphore, #tpu.memory_space<semaphore_mem>>)
        %dma_wait3A = arith.constant 0 : i32
        %dma_wait3A_19 = tpu.memref_slice %arg6[%mul3A_2, %dma_wait3A] : memref<10240x128xf32, #tpu.memory_space<hbm>> -> memref<640x128xf32, #tpu.memory_space<hbm>>
        %dma_wait3A_20 = arith.constant 0 : i32
        %dma_wait3A_21 = tpu.memref_slice %arg11[%mul3A_2, %dma_wait3A_20] : memref<10240x128xf32, #tpu.memory_space<vmem_shared>> -> memref<640x128xf32, #tpu.memory_space<vmem_shared>>
        tpu.wait_dma2 semaphore(%run_scoped3A : memref<!tpu.dma_semaphore, #tpu.memory_space<semaphore_mem>>) src(%dma_wait3A_21 : memref<640x128xf32, #tpu.memory_space<vmem_shared>>) dst(%dma_wait3A_19 : memref<640x128xf32, #tpu.memory_space<hbm>>)
        tpu.yield
      }) : () -> ()
    } else {
    }
    %eq3A_11 = arith.constant 1 : i32
    %eq3A_12 = arith.cmpi eq, %arg0, %eq3A_11 : i32
    %convert_element_type3A_13 = arith.extui %eq3A_12 : i1 to i32
    %cond3A_14 = arith.constant 0 : i32
    %cond3A_15 = arith.cmpi ne, %convert_element_type3A_13, %cond3A_14 : i32
    scf.if %cond3A_15 {
      "tpu.region"() ({
        %run_scoped3A = tpu.sem_alloc : memref<!tpu.dma_semaphore, #tpu.memory_space<semaphore_mem>>
        %dma_start3A = arith.constant 0 : i32
        %dma_start3A_16 = tpu.memref_slice %arg7[%mul3A_2, %dma_start3A] : memref<10240x128xf32, #tpu.memory_space<hbm>> -> memref<640x128xf32, #tpu.memory_space<hbm>>
        %dma_start3A_17 = arith.constant 0 : i32
        %dma_start3A_18 = tpu.memref_slice %arg11[%mul3A_2, %dma_start3A_17] : memref<10240x128xf32, #tpu.memory_space<vmem_shared>> -> memref<640x128xf32, #tpu.memory_space<vmem_shared>>
        tpu.enqueue_dma source(%dma_start3A_18 : memref<640x128xf32, #tpu.memory_space<vmem_shared>>) target(%dma_start3A_16 : memref<640x128xf32, #tpu.memory_space<hbm>>) target_semaphore(%run_scoped3A : memref<!tpu.dma_semaphore, #tpu.memory_space<semaphore_mem>>)
        %dma_wait3A = arith.constant 0 : i32
        %dma_wait3A_19 = tpu.memref_slice %arg7[%mul3A_2, %dma_wait3A] : memref<10240x128xf32, #tpu.memory_space<hbm>> -> memref<640x128xf32, #tpu.memory_space<hbm>>
        %dma_wait3A_20 = arith.constant 0 : i32
        %dma_wait3A_21 = tpu.memref_slice %arg11[%mul3A_2, %dma_wait3A_20] : memref<10240x128xf32, #tpu.memory_space<vmem_shared>> -> memref<640x128xf32, #tpu.memory_space<vmem_shared>>
        tpu.wait_dma2 semaphore(%run_scoped3A : memref<!tpu.dma_semaphore, #tpu.memory_space<semaphore_mem>>) src(%dma_wait3A_21 : memref<640x128xf32, #tpu.memory_space<vmem_shared>>) dst(%dma_wait3A_19 : memref<640x128xf32, #tpu.memory_space<hbm>>)
        tpu.yield
      }) : () -> ()
    } else {
    }
    return
  }
}

#map = affine_map<(d0, d1) -> (0, 0, 0)>
#map1 = affine_map<(d0, d1) -> (0)>
#map2 = affine_map<(d0, d1) -> (0, 0)>
module attributes {stable_mosaic.version = 14 : i64} {
  func.func @_deg_body(%arg0: i32, %arg1: i32, %arg2: memref<32x80x128xi32, #tpu.memory_space<hbm>>, %arg3: memref<128xf32, #tpu.memory_space<hbm>>, %arg4: memref<640xf32, #tpu.memory_space<hbm>>, %arg5: memref<2x10240xf32, #tpu.memory_space<hbm>>, %arg6: memref<80x128xi32, #tpu.memory_space<vmem>>, %arg7: memref<128xf32, #tpu.memory_space<vmem>>, %arg8: memref<640xf32, #tpu.memory_space<vmem>>, %arg9: memref<10240xf32, #tpu.memory_space<vmem_shared>>) attributes {dimension_semantics = [#tpu.dimension_semantics<core_parallel>, #tpu.dimension_semantics<subcore_parallel>], iteration_bounds = array<i64: 2, 16>, scalar_prefetch = 0 : i64, scratch_operands = 4 : i64, tpu.core_type = #tpu.core_type<sc_vector_subcore>, window_params = [{transform_indices = #map}, {transform_indices = #map1}, {transform_indices = #map1}, {transform_indices = #map2}]} {
    %mul3A = arith.constant 2 : i32
    %mul3A_0 = arith.muli %arg1, %mul3A : i32
    %add3A = arith.addi %mul3A_0, %arg0 : i32
    "tpu.region"() ({
      %run_scoped3A = tpu.sem_alloc : memref<!tpu.dma_semaphore, #tpu.memory_space<semaphore_mem>>
      tpu.enqueue_dma source(%arg4 : memref<640xf32, #tpu.memory_space<hbm>>) target(%arg8 : memref<640xf32, #tpu.memory_space<vmem>>) target_semaphore(%run_scoped3A : memref<!tpu.dma_semaphore, #tpu.memory_space<semaphore_mem>>)
      tpu.wait_dma2 semaphore(%run_scoped3A : memref<!tpu.dma_semaphore, #tpu.memory_space<semaphore_mem>>) src(%arg4 : memref<640xf32, #tpu.memory_space<hbm>>) dst(%arg8 : memref<640xf32, #tpu.memory_space<vmem>>)
      tpu.yield
    }) : () -> ()
    %mul3A_1 = arith.constant 640 : i32
    %mul3A_2 = arith.muli %arg1, %mul3A_1 : i32
    "tpu.region"() ({
      %run_scoped3A = tpu.sem_alloc : memref<!tpu.dma_semaphore, #tpu.memory_space<semaphore_mem>>
      %dma_start3A = tpu.memref_slice %arg9[%mul3A_2] : memref<10240xf32, #tpu.memory_space<vmem_shared>> -> memref<640xf32, #tpu.memory_space<vmem_shared>>
      %dma_start3A_11 = tpu.memref_slice %arg9[%mul3A_2] : memref<10240xf32, #tpu.memory_space<vmem_shared>> -> memref<640xf32, #tpu.memory_space<vmem_shared>>
      tpu.enqueue_dma source(%arg8 : memref<640xf32, #tpu.memory_space<vmem>>) target(%dma_start3A_11 : memref<640xf32, #tpu.memory_space<vmem_shared>>) target_semaphore(%run_scoped3A : memref<!tpu.dma_semaphore, #tpu.memory_space<semaphore_mem>>)
      %dma_wait3A = tpu.memref_slice %arg9[%mul3A_2] : memref<10240xf32, #tpu.memory_space<vmem_shared>> -> memref<640xf32, #tpu.memory_space<vmem_shared>>
      %dma_wait3A_12 = tpu.memref_slice %arg9[%mul3A_2] : memref<10240xf32, #tpu.memory_space<vmem_shared>> -> memref<640xf32, #tpu.memory_space<vmem_shared>>
      tpu.wait_dma2 semaphore(%run_scoped3A : memref<!tpu.dma_semaphore, #tpu.memory_space<semaphore_mem>>) src(%arg8 : memref<640xf32, #tpu.memory_space<vmem>>) dst(%dma_wait3A_12 : memref<640xf32, #tpu.memory_space<vmem_shared>>)
      tpu.yield
    }) : () -> ()
    "tpu.region"() ({
      %run_scoped3A = tpu.sem_alloc : memref<!tpu.dma_semaphore, #tpu.memory_space<semaphore_mem>>
      tpu.enqueue_dma source(%arg3 : memref<128xf32, #tpu.memory_space<hbm>>) target(%arg7 : memref<128xf32, #tpu.memory_space<vmem>>) target_semaphore(%run_scoped3A : memref<!tpu.dma_semaphore, #tpu.memory_space<semaphore_mem>>)
      tpu.wait_dma2 semaphore(%run_scoped3A : memref<!tpu.dma_semaphore, #tpu.memory_space<semaphore_mem>>) src(%arg3 : memref<128xf32, #tpu.memory_space<hbm>>) dst(%arg7 : memref<128xf32, #tpu.memory_space<vmem>>)
      tpu.yield
    }) : () -> ()
    "tpu.region"() ({
      %run_scoped3A = tpu.sem_alloc : memref<!tpu.dma_semaphore, #tpu.memory_space<semaphore_mem>>
      %dma_start3A = arith.constant 0 : i32
      %dma_start3A_11 = arith.constant 0 : i32
      %dma_start3A_12 = tpu.memref_slice %arg2[%add3A, %dma_start3A, %dma_start3A_11] : memref<32x80x128xi32, #tpu.memory_space<hbm>> -> memref<1x80x128xi32, #tpu.memory_space<hbm>>
      %dma_start3A_13 = tpu.memref_squeeze %dma_start3A_12 : memref<1x80x128xi32, #tpu.memory_space<hbm>> -> memref<80x128xi32, #tpu.memory_space<hbm>>
      %dma_start3A_14 = arith.constant 0 : i32
      %dma_start3A_15 = arith.constant 0 : i32
      %dma_start3A_16 = tpu.memref_slice %arg2[%add3A, %dma_start3A_14, %dma_start3A_15] : memref<32x80x128xi32, #tpu.memory_space<hbm>> -> memref<1x80x128xi32, #tpu.memory_space<hbm>>
      %dma_start3A_17 = tpu.memref_squeeze %dma_start3A_16 : memref<1x80x128xi32, #tpu.memory_space<hbm>> -> memref<80x128xi32, #tpu.memory_space<hbm>>
      tpu.enqueue_dma source(%dma_start3A_17 : memref<80x128xi32, #tpu.memory_space<hbm>>) target(%arg6 : memref<80x128xi32, #tpu.memory_space<vmem>>) target_semaphore(%run_scoped3A : memref<!tpu.dma_semaphore, #tpu.memory_space<semaphore_mem>>)
      %dma_wait3A = arith.constant 0 : i32
      %dma_wait3A_18 = arith.constant 0 : i32
      %dma_wait3A_19 = tpu.memref_slice %arg2[%add3A, %dma_wait3A, %dma_wait3A_18] : memref<32x80x128xi32, #tpu.memory_space<hbm>> -> memref<1x80x128xi32, #tpu.memory_space<hbm>>
      %dma_wait3A_20 = tpu.memref_squeeze %dma_wait3A_19 : memref<1x80x128xi32, #tpu.memory_space<hbm>> -> memref<80x128xi32, #tpu.memory_space<hbm>>
      %dma_wait3A_21 = arith.constant 0 : i32
      %dma_wait3A_22 = arith.constant 0 : i32
      %dma_wait3A_23 = tpu.memref_slice %arg2[%add3A, %dma_wait3A_21, %dma_wait3A_22] : memref<32x80x128xi32, #tpu.memory_space<hbm>> -> memref<1x80x128xi32, #tpu.memory_space<hbm>>
      %dma_wait3A_24 = tpu.memref_squeeze %dma_wait3A_23 : memref<1x80x128xi32, #tpu.memory_space<hbm>> -> memref<80x128xi32, #tpu.memory_space<hbm>>
      tpu.wait_dma2 semaphore(%run_scoped3A : memref<!tpu.dma_semaphore, #tpu.memory_space<semaphore_mem>>) src(%dma_wait3A_24 : memref<80x128xi32, #tpu.memory_space<hbm>>) dst(%arg6 : memref<80x128xi32, #tpu.memory_space<vmem>>)
      tpu.yield
    }) : () -> ()
    %barrier3A = arith.constant 0 : index
    tpu.barrier barrier_id(%barrier3A)
    %scan3A = arith.constant 0 : i32
    %scan3A_3 = arith.constant 0 : i32
    %scan3A_4 = arith.constant 80 : i32
    %scan3A_5 = arith.addi %scan3A_3, %scan3A_4 : i32
    %scan3A_6 = arith.constant 1 : i32
    scf.for %scan3A_11 = %scan3A_3 to %scan3A_5 step %scan3A_6  : i32 {
      "tpu.region"() ({
        %run_scoped3A = tpu.sem_alloc : memref<!tpu.dma_semaphore, #tpu.memory_space<semaphore_mem>>
        %dma_start3A = arith.constant 0 : i32
        %dma_start3A_12 = tpu.memref_slice %arg6[%scan3A_11, %dma_start3A] : memref<80x128xi32, #tpu.memory_space<vmem>> -> memref<1x128xi32, #tpu.memory_space<vmem>>
        %dma_start3A_13 = tpu.memref_squeeze %dma_start3A_12 : memref<1x128xi32, #tpu.memory_space<vmem>> -> memref<128xi32, #tpu.memory_space<vmem>>
        %dma_start3A_14 = arith.constant 0 : i32
        %dma_start3A_15 = tpu.memref_slice %arg9[%dma_start3A_14] : memref<10240xf32, #tpu.memory_space<vmem_shared>> -> memref<10240xf32, #tpu.memory_space<vmem_shared>>
        tpu.enqueue_indirect_dma source(%arg7 : memref<128xf32, #tpu.memory_space<vmem>>) target(%dma_start3A_15 : memref<10240xf32, #tpu.memory_space<vmem_shared>>) offsets(%dma_start3A_13 : memref<128xi32, #tpu.memory_space<vmem>>) semaphore(%run_scoped3A : memref<!tpu.dma_semaphore, #tpu.memory_space<semaphore_mem>>) {add = true}
        %dma_wait3A = arith.constant 0 : i32
        %dma_wait3A_16 = tpu.memref_slice %arg6[%scan3A_11, %dma_wait3A] : memref<80x128xi32, #tpu.memory_space<vmem>> -> memref<1x128xi32, #tpu.memory_space<vmem>>
        %dma_wait3A_17 = tpu.memref_squeeze %dma_wait3A_16 : memref<1x128xi32, #tpu.memory_space<vmem>> -> memref<128xi32, #tpu.memory_space<vmem>>
        %dma_wait3A_18 = arith.constant 0 : i32
        %dma_wait3A_19 = tpu.memref_slice %arg9[%dma_wait3A_18] : memref<10240xf32, #tpu.memory_space<vmem_shared>> -> memref<10240xf32, #tpu.memory_space<vmem_shared>>
        tpu.wait_indirect_dma semaphore(%run_scoped3A : memref<!tpu.dma_semaphore, #tpu.memory_space<semaphore_mem>>) src(%arg7 : memref<128xf32, #tpu.memory_space<vmem>>) dst(%dma_wait3A_19 : memref<10240xf32, #tpu.memory_space<vmem_shared>>)
        tpu.yield
      }) : () -> ()
    }
    %scan3A_7 = arith.constant 80 : i32
    %barrier3A_8 = arith.constant 0 : index
    tpu.barrier barrier_id(%barrier3A_8)
    %mul3A_9 = arith.constant 640 : i32
    %mul3A_10 = arith.muli %arg1, %mul3A_9 : i32
    "tpu.region"() ({
      %run_scoped3A = tpu.sem_alloc : memref<!tpu.dma_semaphore, #tpu.memory_space<semaphore_mem>>
      %dma_start3A = tpu.memref_slice %arg9[%mul3A_10] : memref<10240xf32, #tpu.memory_space<vmem_shared>> -> memref<640xf32, #tpu.memory_space<vmem_shared>>
      %dma_start3A_11 = tpu.memref_slice %arg9[%mul3A_10] : memref<10240xf32, #tpu.memory_space<vmem_shared>> -> memref<640xf32, #tpu.memory_space<vmem_shared>>
      tpu.enqueue_dma source(%dma_start3A_11 : memref<640xf32, #tpu.memory_space<vmem_shared>>) target(%arg8 : memref<640xf32, #tpu.memory_space<vmem>>) target_semaphore(%run_scoped3A : memref<!tpu.dma_semaphore, #tpu.memory_space<semaphore_mem>>)
      %dma_wait3A = tpu.memref_slice %arg9[%mul3A_10] : memref<10240xf32, #tpu.memory_space<vmem_shared>> -> memref<640xf32, #tpu.memory_space<vmem_shared>>
      %dma_wait3A_12 = tpu.memref_slice %arg9[%mul3A_10] : memref<10240xf32, #tpu.memory_space<vmem_shared>> -> memref<640xf32, #tpu.memory_space<vmem_shared>>
      tpu.wait_dma2 semaphore(%run_scoped3A : memref<!tpu.dma_semaphore, #tpu.memory_space<semaphore_mem>>) src(%dma_wait3A_12 : memref<640xf32, #tpu.memory_space<vmem_shared>>) dst(%arg8 : memref<640xf32, #tpu.memory_space<vmem>>)
      tpu.yield
    }) : () -> ()
    "tpu.region"() ({
      %run_scoped3A = tpu.sem_alloc : memref<!tpu.dma_semaphore, #tpu.memory_space<semaphore_mem>>
      %dma_start3A = tpu.memref_slice %arg5[%arg0, %mul3A_10] : memref<2x10240xf32, #tpu.memory_space<hbm>> -> memref<1x640xf32, #tpu.memory_space<hbm>>
      %dma_start3A_11 = tpu.memref_squeeze %dma_start3A : memref<1x640xf32, #tpu.memory_space<hbm>> -> memref<640xf32, #tpu.memory_space<hbm>>
      %dma_start3A_12 = tpu.memref_slice %arg5[%arg0, %mul3A_10] : memref<2x10240xf32, #tpu.memory_space<hbm>> -> memref<1x640xf32, #tpu.memory_space<hbm>>
      %dma_start3A_13 = tpu.memref_squeeze %dma_start3A_12 : memref<1x640xf32, #tpu.memory_space<hbm>> -> memref<640xf32, #tpu.memory_space<hbm>>
      tpu.enqueue_dma source(%arg8 : memref<640xf32, #tpu.memory_space<vmem>>) target(%dma_start3A_13 : memref<640xf32, #tpu.memory_space<hbm>>) target_semaphore(%run_scoped3A : memref<!tpu.dma_semaphore, #tpu.memory_space<semaphore_mem>>)
      %dma_wait3A = tpu.memref_slice %arg5[%arg0, %mul3A_10] : memref<2x10240xf32, #tpu.memory_space<hbm>> -> memref<1x640xf32, #tpu.memory_space<hbm>>
      %dma_wait3A_14 = tpu.memref_squeeze %dma_wait3A : memref<1x640xf32, #tpu.memory_space<hbm>> -> memref<640xf32, #tpu.memory_space<hbm>>
      %dma_wait3A_15 = tpu.memref_slice %arg5[%arg0, %mul3A_10] : memref<2x10240xf32, #tpu.memory_space<hbm>> -> memref<1x640xf32, #tpu.memory_space<hbm>>
      %dma_wait3A_16 = tpu.memref_squeeze %dma_wait3A_15 : memref<1x640xf32, #tpu.memory_space<hbm>> -> memref<640xf32, #tpu.memory_space<hbm>>
      tpu.wait_dma2 semaphore(%run_scoped3A : memref<!tpu.dma_semaphore, #tpu.memory_space<semaphore_mem>>) src(%arg8 : memref<640xf32, #tpu.memory_space<vmem>>) dst(%dma_wait3A_16 : memref<640xf32, #tpu.memory_space<hbm>>)
      tpu.yield
    }) : () -> ()
    return
  }
}

#map = affine_map<(d0, d1) -> (0, 0)>
#map1 = affine_map<(d0, d1) -> (0, 0, 0)>
module attributes {stable_mosaic.version = 14 : i64} {
  func.func @_spmm_body(%arg0: i32, %arg1: i32, %arg2: memref<10240x128xf32, #tpu.memory_space<hbm>>, %arg3: memref<32x80x128xi32, #tpu.memory_space<hbm>>, %arg4: memref<32x80x128xi32, #tpu.memory_space<hbm>>, %arg5: memref<640x128xf32, #tpu.memory_space<hbm>>, %arg6: memref<10240x128xf32, #tpu.memory_space<hbm>>, %arg7: memref<10240x128xf32, #tpu.memory_space<hbm>>, %arg8: memref<128xi32, #tpu.memory_space<vmem>>, %arg9: memref<128xi32, #tpu.memory_space<vmem>>, %arg10: memref<128x128xf32, #tpu.memory_space<vmem>>, %arg11: memref<10240x128xf32, #tpu.memory_space<vmem_shared>>, %arg12: memref<!tpu.dma_semaphore, #tpu.memory_space<semaphore_mem>>) attributes {dimension_semantics = [#tpu.dimension_semantics<core_parallel>, #tpu.dimension_semantics<subcore_parallel>], iteration_bounds = array<i64: 2, 16>, scalar_prefetch = 0 : i64, scratch_operands = 5 : i64, tpu.core_type = #tpu.core_type<sc_vector_subcore>, window_params = [{transform_indices = #map}, {transform_indices = #map1}, {transform_indices = #map1}, {transform_indices = #map}, {transform_indices = #map}, {transform_indices = #map}]} {
    %mul3A = arith.constant 2 : i32
    %mul3A_0 = arith.muli %arg1, %mul3A : i32
    %add3A = arith.addi %mul3A_0, %arg0 : i32
    %mul3A_1 = arith.constant 640 : i32
    %mul3A_2 = arith.muli %arg1, %mul3A_1 : i32
    "tpu.region"() ({
      %run_scoped3A = tpu.sem_alloc : memref<!tpu.dma_semaphore, #tpu.memory_space<semaphore_mem>>
      %dma_start3A = arith.constant 0 : i32
      %dma_start3A_16 = tpu.memref_slice %arg11[%mul3A_2, %dma_start3A] : memref<10240x128xf32, #tpu.memory_space<vmem_shared>> -> memref<640x128xf32, #tpu.memory_space<vmem_shared>>
      tpu.enqueue_dma source(%arg5 : memref<640x128xf32, #tpu.memory_space<hbm>>) target(%dma_start3A_16 : memref<640x128xf32, #tpu.memory_space<vmem_shared>>) target_semaphore(%run_scoped3A : memref<!tpu.dma_semaphore, #tpu.memory_space<semaphore_mem>>)
      %dma_wait3A = arith.constant 0 : i32
      %dma_wait3A_17 = tpu.memref_slice %arg11[%mul3A_2, %dma_wait3A] : memref<10240x128xf32, #tpu.memory_space<vmem_shared>> -> memref<640x128xf32, #tpu.memory_space<vmem_shared>>
      tpu.wait_dma2 semaphore(%run_scoped3A : memref<!tpu.dma_semaphore, #tpu.memory_space<semaphore_mem>>) src(%arg5 : memref<640x128xf32, #tpu.memory_space<hbm>>) dst(%dma_wait3A_17 : memref<640x128xf32, #tpu.memory_space<vmem_shared>>)
      tpu.yield
    }) : () -> ()
    %barrier3A = arith.constant 0 : index
    tpu.barrier barrier_id(%barrier3A)
    %scan3A = arith.constant 0 : i32
    %scan3A_3 = arith.constant 0 : i32
    %scan3A_4 = arith.constant 80 : i32
    %scan3A_5 = arith.addi %scan3A_3, %scan3A_4 : i32
    %scan3A_6 = arith.constant 1 : i32
    scf.for %scan3A_16 = %scan3A_3 to %scan3A_5 step %scan3A_6  : i32 {
      "tpu.region"() ({
        %run_scoped3A = tpu.sem_alloc : memref<!tpu.dma_semaphore, #tpu.memory_space<semaphore_mem>>
        %dma_start3A_21 = arith.constant 0 : i32
        %dma_start3A_22 = tpu.memref_slice %arg3[%add3A, %scan3A_16, %dma_start3A_21] : memref<32x80x128xi32, #tpu.memory_space<hbm>> -> memref<1x1x128xi32, #tpu.memory_space<hbm>>
        %dma_start3A_23 = tpu.memref_squeeze %dma_start3A_22 : memref<1x1x128xi32, #tpu.memory_space<hbm>> -> memref<128xi32, #tpu.memory_space<hbm>>
        %dma_start3A_24 = arith.constant 0 : i32
        %dma_start3A_25 = tpu.memref_slice %arg3[%add3A, %scan3A_16, %dma_start3A_24] : memref<32x80x128xi32, #tpu.memory_space<hbm>> -> memref<1x1x128xi32, #tpu.memory_space<hbm>>
        %dma_start3A_26 = tpu.memref_squeeze %dma_start3A_25 : memref<1x1x128xi32, #tpu.memory_space<hbm>> -> memref<128xi32, #tpu.memory_space<hbm>>
        tpu.enqueue_dma source(%dma_start3A_26 : memref<128xi32, #tpu.memory_space<hbm>>) target(%arg8 : memref<128xi32, #tpu.memory_space<vmem>>) target_semaphore(%run_scoped3A : memref<!tpu.dma_semaphore, #tpu.memory_space<semaphore_mem>>)
        %dma_wait3A_27 = arith.constant 0 : i32
        %dma_wait3A_28 = tpu.memref_slice %arg3[%add3A, %scan3A_16, %dma_wait3A_27] : memref<32x80x128xi32, #tpu.memory_space<hbm>> -> memref<1x1x128xi32, #tpu.memory_space<hbm>>
        %dma_wait3A_29 = tpu.memref_squeeze %dma_wait3A_28 : memref<1x1x128xi32, #tpu.memory_space<hbm>> -> memref<128xi32, #tpu.memory_space<hbm>>
        %dma_wait3A_30 = arith.constant 0 : i32
        %dma_wait3A_31 = tpu.memref_slice %arg3[%add3A, %scan3A_16, %dma_wait3A_30] : memref<32x80x128xi32, #tpu.memory_space<hbm>> -> memref<1x1x128xi32, #tpu.memory_space<hbm>>
        %dma_wait3A_32 = tpu.memref_squeeze %dma_wait3A_31 : memref<1x1x128xi32, #tpu.memory_space<hbm>> -> memref<128xi32, #tpu.memory_space<hbm>>
        tpu.wait_dma2 semaphore(%run_scoped3A : memref<!tpu.dma_semaphore, #tpu.memory_space<semaphore_mem>>) src(%dma_wait3A_32 : memref<128xi32, #tpu.memory_space<hbm>>) dst(%arg8 : memref<128xi32, #tpu.memory_space<vmem>>)
        tpu.yield
      }) : () -> ()
      "tpu.region"() ({
        %run_scoped3A = tpu.sem_alloc : memref<!tpu.dma_semaphore, #tpu.memory_space<semaphore_mem>>
        %dma_start3A_21 = arith.constant 0 : i32
        %dma_start3A_22 = tpu.memref_slice %arg4[%add3A, %scan3A_16, %dma_start3A_21] : memref<32x80x128xi32, #tpu.memory_space<hbm>> -> memref<1x1x128xi32, #tpu.memory_space<hbm>>
        %dma_start3A_23 = tpu.memref_squeeze %dma_start3A_22 : memref<1x1x128xi32, #tpu.memory_space<hbm>> -> memref<128xi32, #tpu.memory_space<hbm>>
        %dma_start3A_24 = arith.constant 0 : i32
        %dma_start3A_25 = tpu.memref_slice %arg4[%add3A, %scan3A_16, %dma_start3A_24] : memref<32x80x128xi32, #tpu.memory_space<hbm>> -> memref<1x1x128xi32, #tpu.memory_space<hbm>>
        %dma_start3A_26 = tpu.memref_squeeze %dma_start3A_25 : memref<1x1x128xi32, #tpu.memory_space<hbm>> -> memref<128xi32, #tpu.memory_space<hbm>>
        tpu.enqueue_dma source(%dma_start3A_26 : memref<128xi32, #tpu.memory_space<hbm>>) target(%arg9 : memref<128xi32, #tpu.memory_space<vmem>>) target_semaphore(%run_scoped3A : memref<!tpu.dma_semaphore, #tpu.memory_space<semaphore_mem>>)
        %dma_wait3A_27 = arith.constant 0 : i32
        %dma_wait3A_28 = tpu.memref_slice %arg4[%add3A, %scan3A_16, %dma_wait3A_27] : memref<32x80x128xi32, #tpu.memory_space<hbm>> -> memref<1x1x128xi32, #tpu.memory_space<hbm>>
        %dma_wait3A_29 = tpu.memref_squeeze %dma_wait3A_28 : memref<1x1x128xi32, #tpu.memory_space<hbm>> -> memref<128xi32, #tpu.memory_space<hbm>>
        %dma_wait3A_30 = arith.constant 0 : i32
        %dma_wait3A_31 = tpu.memref_slice %arg4[%add3A, %scan3A_16, %dma_wait3A_30] : memref<32x80x128xi32, #tpu.memory_space<hbm>> -> memref<1x1x128xi32, #tpu.memory_space<hbm>>
        %dma_wait3A_32 = tpu.memref_squeeze %dma_wait3A_31 : memref<1x1x128xi32, #tpu.memory_space<hbm>> -> memref<128xi32, #tpu.memory_space<hbm>>
        tpu.wait_dma2 semaphore(%run_scoped3A : memref<!tpu.dma_semaphore, #tpu.memory_space<semaphore_mem>>) src(%dma_wait3A_32 : memref<128xi32, #tpu.memory_space<hbm>>) dst(%arg9 : memref<128xi32, #tpu.memory_space<vmem>>)
        tpu.yield
      }) : () -> ()
      %dma_start3A = arith.constant 0 : i32
      %dma_start3A_17 = arith.constant 0 : i32
      %dma_start3A_18 = tpu.memref_slice %arg2[%dma_start3A, %dma_start3A_17] : memref<10240x128xf32, #tpu.memory_space<hbm>> -> memref<10240x128xf32, #tpu.memory_space<hbm>>
      tpu.enqueue_indirect_dma source(%dma_start3A_18 : memref<10240x128xf32, #tpu.memory_space<hbm>>) target(%arg10 : memref<128x128xf32, #tpu.memory_space<vmem>>) offsets(%arg8 : memref<128xi32, #tpu.memory_space<vmem>>) semaphore(%arg12 : memref<!tpu.dma_semaphore, #tpu.memory_space<semaphore_mem>>)
      %dma_wait3A = arith.constant 0 : i32
      %dma_wait3A_19 = arith.constant 0 : i32
      %dma_wait3A_20 = tpu.memref_slice %arg2[%dma_wait3A, %dma_wait3A_19] : memref<10240x128xf32, #tpu.memory_space<hbm>> -> memref<10240x128xf32, #tpu.memory_space<hbm>>
      tpu.wait_indirect_dma semaphore(%arg12 : memref<!tpu.dma_semaphore, #tpu.memory_space<semaphore_mem>>) src(%dma_wait3A_20 : memref<10240x128xf32, #tpu.memory_space<hbm>>) dst(%arg10 : memref<128x128xf32, #tpu.memory_space<vmem>>)
      "tpu.region"() ({
        %run_scoped3A = tpu.sem_alloc : memref<!tpu.dma_semaphore, #tpu.memory_space<semaphore_mem>>
        %dma_start3A_21 = arith.constant 0 : i32
        %dma_start3A_22 = arith.constant 0 : i32
        %dma_start3A_23 = tpu.memref_slice %arg11[%dma_start3A_21, %dma_start3A_22] : memref<10240x128xf32, #tpu.memory_space<vmem_shared>> -> memref<10240x128xf32, #tpu.memory_space<vmem_shared>>
        tpu.enqueue_indirect_dma source(%arg10 : memref<128x128xf32, #tpu.memory_space<vmem>>) target(%dma_start3A_23 : memref<10240x128xf32, #tpu.memory_space<vmem_shared>>) offsets(%arg9 : memref<128xi32, #tpu.memory_space<vmem>>) semaphore(%run_scoped3A : memref<!tpu.dma_semaphore, #tpu.memory_space<semaphore_mem>>) {add = true}
        %dma_wait3A_24 = arith.constant 0 : i32
        %dma_wait3A_25 = arith.constant 0 : i32
        %dma_wait3A_26 = tpu.memref_slice %arg11[%dma_wait3A_24, %dma_wait3A_25] : memref<10240x128xf32, #tpu.memory_space<vmem_shared>> -> memref<10240x128xf32, #tpu.memory_space<vmem_shared>>
        tpu.wait_indirect_dma semaphore(%run_scoped3A : memref<!tpu.dma_semaphore, #tpu.memory_space<semaphore_mem>>) src(%arg10 : memref<128x128xf32, #tpu.memory_space<vmem>>) dst(%dma_wait3A_26 : memref<10240x128xf32, #tpu.memory_space<vmem_shared>>)
        tpu.yield
      }) : () -> ()
    }
    %scan3A_7 = arith.constant 80 : i32
    %barrier3A_8 = arith.constant 0 : index
    tpu.barrier barrier_id(%barrier3A_8)
    %eq3A = arith.constant 0 : i32
    %eq3A_9 = arith.cmpi eq, %arg0, %eq3A : i32
    %convert_element_type3A = arith.extui %eq3A_9 : i1 to i32
    %cond3A = arith.constant 0 : i32
    %cond3A_10 = arith.cmpi ne, %convert_element_type3A, %cond3A : i32
    scf.if %cond3A_10 {
      "tpu.region"() ({
        %run_scoped3A = tpu.sem_alloc : memref<!tpu.dma_semaphore, #tpu.memory_space<semaphore_mem>>
        %dma_start3A = arith.constant 0 : i32
        %dma_start3A_16 = tpu.memref_slice %arg6[%mul3A_2, %dma_start3A] : memref<10240x128xf32, #tpu.memory_space<hbm>> -> memref<640x128xf32, #tpu.memory_space<hbm>>
        %dma_start3A_17 = arith.constant 0 : i32
        %dma_start3A_18 = tpu.memref_slice %arg11[%mul3A_2, %dma_start3A_17] : memref<10240x128xf32, #tpu.memory_space<vmem_shared>> -> memref<640x128xf32, #tpu.memory_space<vmem_shared>>
        tpu.enqueue_dma source(%dma_start3A_18 : memref<640x128xf32, #tpu.memory_space<vmem_shared>>) target(%dma_start3A_16 : memref<640x128xf32, #tpu.memory_space<hbm>>) target_semaphore(%run_scoped3A : memref<!tpu.dma_semaphore, #tpu.memory_space<semaphore_mem>>)
        %dma_wait3A = arith.constant 0 : i32
        %dma_wait3A_19 = tpu.memref_slice %arg6[%mul3A_2, %dma_wait3A] : memref<10240x128xf32, #tpu.memory_space<hbm>> -> memref<640x128xf32, #tpu.memory_space<hbm>>
        %dma_wait3A_20 = arith.constant 0 : i32
        %dma_wait3A_21 = tpu.memref_slice %arg11[%mul3A_2, %dma_wait3A_20] : memref<10240x128xf32, #tpu.memory_space<vmem_shared>> -> memref<640x128xf32, #tpu.memory_space<vmem_shared>>
        tpu.wait_dma2 semaphore(%run_scoped3A : memref<!tpu.dma_semaphore, #tpu.memory_space<semaphore_mem>>) src(%dma_wait3A_21 : memref<640x128xf32, #tpu.memory_space<vmem_shared>>) dst(%dma_wait3A_19 : memref<640x128xf32, #tpu.memory_space<hbm>>)
        tpu.yield
      }) : () -> ()
    } else {
    }
    %eq3A_11 = arith.constant 1 : i32
    %eq3A_12 = arith.cmpi eq, %arg0, %eq3A_11 : i32
    %convert_element_type3A_13 = arith.extui %eq3A_12 : i1 to i32
    %cond3A_14 = arith.constant 0 : i32
    %cond3A_15 = arith.cmpi ne, %convert_element_type3A_13, %cond3A_14 : i32
    scf.if %cond3A_15 {
      "tpu.region"() ({
        %run_scoped3A = tpu.sem_alloc : memref<!tpu.dma_semaphore, #tpu.memory_space<semaphore_mem>>
        %dma_start3A = arith.constant 0 : i32
        %dma_start3A_16 = tpu.memref_slice %arg7[%mul3A_2, %dma_start3A] : memref<10240x128xf32, #tpu.memory_space<hbm>> -> memref<640x128xf32, #tpu.memory_space<hbm>>
        %dma_start3A_17 = arith.constant 0 : i32
        %dma_start3A_18 = tpu.memref_slice %arg11[%mul3A_2, %dma_start3A_17] : memref<10240x128xf32, #tpu.memory_space<vmem_shared>> -> memref<640x128xf32, #tpu.memory_space<vmem_shared>>
        tpu.enqueue_dma source(%dma_start3A_18 : memref<640x128xf32, #tpu.memory_space<vmem_shared>>) target(%dma_start3A_16 : memref<640x128xf32, #tpu.memory_space<hbm>>) target_semaphore(%run_scoped3A : memref<!tpu.dma_semaphore, #tpu.memory_space<semaphore_mem>>)
        %dma_wait3A = arith.constant 0 : i32
        %dma_wait3A_19 = tpu.memref_slice %arg7[%mul3A_2, %dma_wait3A] : memref<10240x128xf32, #tpu.memory_space<hbm>> -> memref<640x128xf32, #tpu.memory_space<hbm>>
        %dma_wait3A_20 = arith.constant 0 : i32
        %dma_wait3A_21 = tpu.memref_slice %arg11[%mul3A_2, %dma_wait3A_20] : memref<10240x128xf32, #tpu.memory_space<vmem_shared>> -> memref<640x128xf32, #tpu.memory_space<vmem_shared>>
        tpu.wait_dma2 semaphore(%run_scoped3A : memref<!tpu.dma_semaphore, #tpu.memory_space<semaphore_mem>>) src(%dma_wait3A_21 : memref<640x128xf32, #tpu.memory_space<vmem_shared>>) dst(%dma_wait3A_19 : memref<640x128xf32, #tpu.memory_space<hbm>>)
        tpu.yield
      }) : () -> ()
    } else {
    }
    return
  }
}

module attributes {stable_mosaic.version = 14 : i64} {
  func.func @_mm1_body(%arg0: i32, %arg1: memref<2x512xf32, #tpu.memory_space<vmem>>, %arg2: memref<512x128xf32, #tpu.memory_space<vmem>>, %arg3: memref<128x128xf32, #tpu.memory_space<vmem>>, %arg4: memref<512x128xf32, #tpu.memory_space<vmem>>) attributes {dimension_semantics = [#tpu.dimension_semantics<arbitrary>], iteration_bounds = array<i64: 20>, scalar_prefetch = 0 : i64, scratch_operands = 0 : i64, tpu.core_type = #tpu.core_type<tc>, window_params = [{transform_indices = @transform_0, window_bounds = array<i64: 2, 512>}, {transform_indices = @transform_1, window_bounds = array<i64: 512, 128>}, {pipeline_mode = #tpu.pipeline_mode<synchronous>, transform_indices = @transform_2, window_bounds = array<i64: 128, 128>}, {transform_indices = @transform_3, window_bounds = array<i64: 512, 128>}]} {
    %get3A = arith.constant 0 : index
    %get3A_0 = arith.constant 0 : index
    %get3A_1 = vector.load %arg1[%get3A, %get3A_0] : memref<2x512xf32, #tpu.memory_space<vmem>>, vector<1x512xf32>
    %get3A_2 = vector.shape_cast %get3A_1 : vector<1x512xf32> to vector<512xf32>
    %get3A_3 = arith.constant 1 : index
    %get3A_4 = arith.constant 0 : index
    %get3A_5 = vector.load %arg1[%get3A_3, %get3A_4] : memref<2x512xf32, #tpu.memory_space<vmem>>, vector<1x512xf32>
    %get3A_6 = vector.shape_cast %get3A_5 : vector<1x512xf32> to vector<512xf32>
    %add3A = arith.addf %get3A_2, %get3A_6 : vector<512xf32>
    %max3A = arith.constant 1.000000e+00 : f32
    %max3A_7 = vector.broadcast %max3A : f32 to vector<512xf32>
    %max3A_8 = arith.maximumf %add3A, %max3A_7 : vector<512xf32>
    %rsqrt3A = math.rsqrt %max3A_8 : vector<512xf32>
    %broadcast_in_dim3A = vector.shape_cast %rsqrt3A : vector<512xf32> to vector<512x1xf32>
    %get3A_9 = arith.constant 0 : index
    %get3A_10 = arith.constant 0 : index
    %get3A_11 = vector.load %arg2[%get3A_9, %get3A_10] : memref<512x128xf32, #tpu.memory_space<vmem>>, vector<512x128xf32>
    %get3A_12 = arith.constant 0 : index
    %get3A_13 = arith.constant 0 : index
    %get3A_14 = vector.load %arg3[%get3A_12, %get3A_13] : memref<128x128xf32, #tpu.memory_space<vmem>>, vector<128x128xf32>
    %dot_general3A = arith.constant dense<0.000000e+00> : vector<512x128xf32>
    %dot_general3A_15 = tpu.matmul %get3A_11, %get3A_14, %dot_general3A {dimension_numbers = #tpu.dot_dimension_numbers<[1], [0], [0], [1], [0, 0, 1, 1], [], []>, transpose_lhs_hint = false} : vector<512x128xf32>, vector<128x128xf32>, vector<512x128xf32> -> vector<512x128xf32>
    %mul3A = vector.broadcast %broadcast_in_dim3A : vector<512x1xf32> to vector<512x128xf32>
    %mul3A_16 = arith.mulf %dot_general3A_15, %mul3A : vector<512x128xf32>
    %swap3A = arith.constant 0 : index
    %swap3A_17 = arith.constant 0 : index
    %swap3A_18 = vector.load %arg4[%swap3A, %swap3A_17] : memref<512x128xf32, #tpu.memory_space<vmem>>, vector<512x128xf32>
    tpu.vector_store %arg4[%swap3A, %swap3A_17], %mul3A_16 {strides = array<i32>} : memref<512x128xf32, #tpu.memory_space<vmem>>, vector<512x128xf32>,
    return
  }
  func.func @transform_0(%arg0: i32) -> (i32, i32) {
    %c0_i32 = arith.constant 0 : i32
    %c0_i32_0 = arith.constant 0 : i32
    return %c0_i32, %arg0 : i32, i32
  }
  func.func @transform_1(%arg0: i32) -> (i32, i32) {
    %c0_i32 = arith.constant 0 : i32
    %c0_i32_0 = arith.constant 0 : i32
    return %arg0, %c0_i32 : i32, i32
  }
  func.func @transform_2(%arg0: i32) -> (i32, i32) {
    %c0_i32 = arith.constant 0 : i32
    %c0_i32_0 = arith.constant 0 : i32
    %c0_i32_1 = arith.constant 0 : i32
    return %c0_i32, %c0_i32_0 : i32, i32
  }
  func.func @transform_3(%arg0: i32) -> (i32, i32) {
    %c0_i32 = arith.constant 0 : i32
    %c0_i32_0 = arith.constant 0 : i32
    return %arg0, %c0_i32 : i32, i32
  }
}

module attributes {stable_mosaic.version = 14 : i64} {
  func.func @_mid_body(%arg0: i32, %arg1: memref<2x512xf32, #tpu.memory_space<vmem>>, %arg2: memref<512x128xf32, #tpu.memory_space<vmem>>, %arg3: memref<512x128xf32, #tpu.memory_space<vmem>>, %arg4: memref<1x128xf32, #tpu.memory_space<vmem>>, %arg5: memref<128x128xf32, #tpu.memory_space<vmem>>, %arg6: memref<512x128xf32, #tpu.memory_space<vmem>>) attributes {dimension_semantics = [#tpu.dimension_semantics<arbitrary>], iteration_bounds = array<i64: 20>, scalar_prefetch = 0 : i64, scratch_operands = 0 : i64, tpu.core_type = #tpu.core_type<tc>, window_params = [{transform_indices = @transform_0, window_bounds = array<i64: 2, 512>}, {transform_indices = @transform_1, window_bounds = array<i64: 512, 128>}, {transform_indices = @transform_2, window_bounds = array<i64: 512, 128>}, {pipeline_mode = #tpu.pipeline_mode<synchronous>, transform_indices = @transform_3, window_bounds = array<i64: 1, 128>}, {pipeline_mode = #tpu.pipeline_mode<synchronous>, transform_indices = @transform_4, window_bounds = array<i64: 128, 128>}, {transform_indices = @transform_5, window_bounds = array<i64: 512, 128>}]} {
    %get3A = arith.constant 0 : index
    %get3A_0 = arith.constant 0 : index
    %get3A_1 = vector.load %arg1[%get3A, %get3A_0] : memref<2x512xf32, #tpu.memory_space<vmem>>, vector<1x512xf32>
    %get3A_2 = vector.shape_cast %get3A_1 : vector<1x512xf32> to vector<512xf32>
    %get3A_3 = arith.constant 1 : index
    %get3A_4 = arith.constant 0 : index
    %get3A_5 = vector.load %arg1[%get3A_3, %get3A_4] : memref<2x512xf32, #tpu.memory_space<vmem>>, vector<1x512xf32>
    %get3A_6 = vector.shape_cast %get3A_5 : vector<1x512xf32> to vector<512xf32>
    %add3A = arith.addf %get3A_2, %get3A_6 : vector<512xf32>
    %max3A = arith.constant 1.000000e+00 : f32
    %max3A_7 = vector.broadcast %max3A : f32 to vector<512xf32>
    %max3A_8 = arith.maximumf %add3A, %max3A_7 : vector<512xf32>
    %rsqrt3A = math.rsqrt %max3A_8 : vector<512xf32>
    %broadcast_in_dim3A = vector.shape_cast %rsqrt3A : vector<512xf32> to vector<512x1xf32>
    %get3A_9 = arith.constant 0 : index
    %get3A_10 = arith.constant 0 : index
    %get3A_11 = vector.load %arg2[%get3A_9, %get3A_10] : memref<512x128xf32, #tpu.memory_space<vmem>>, vector<512x128xf32>
    %get3A_12 = arith.constant 0 : index
    %get3A_13 = arith.constant 0 : index
    %get3A_14 = vector.load %arg3[%get3A_12, %get3A_13] : memref<512x128xf32, #tpu.memory_space<vmem>>, vector<512x128xf32>
    %add3A_15 = arith.addf %get3A_11, %get3A_14 : vector<512x128xf32>
    %mul3A = vector.broadcast %broadcast_in_dim3A : vector<512x1xf32> to vector<512x128xf32>
    %mul3A_16 = arith.mulf %add3A_15, %mul3A : vector<512x128xf32>
    %get3A_17 = arith.constant 0 : index
    %get3A_18 = arith.constant 0 : index
    %get3A_19 = vector.load %arg4[%get3A_17, %get3A_18] : memref<1x128xf32, #tpu.memory_space<vmem>>, vector<1x128xf32>
    %add3A_20 = vector.broadcast %get3A_19 : vector<1x128xf32> to vector<512x128xf32>
    %add3A_21 = arith.addf %mul3A_16, %add3A_20 : vector<512x128xf32>
    %max3A_22 = arith.constant 0.000000e+00 : f32
    %max3A_23 = vector.broadcast %max3A_22 : f32 to vector<512x128xf32>
    %max3A_24 = arith.maximumf %add3A_21, %max3A_23 : vector<512x128xf32>
    %get3A_25 = arith.constant 0 : index
    %get3A_26 = arith.constant 0 : index
    %get3A_27 = vector.load %arg5[%get3A_25, %get3A_26] : memref<128x128xf32, #tpu.memory_space<vmem>>, vector<128x128xf32>
    %dot_general3A = arith.constant dense<0.000000e+00> : vector<512x128xf32>
    %dot_general3A_28 = tpu.matmul %max3A_24, %get3A_27, %dot_general3A {dimension_numbers = #tpu.dot_dimension_numbers<[1], [0], [0], [1], [0, 0, 1, 1], [], []>, transpose_lhs_hint = false} : vector<512x128xf32>, vector<128x128xf32>, vector<512x128xf32> -> vector<512x128xf32>
    %mul3A_29 = vector.broadcast %broadcast_in_dim3A : vector<512x1xf32> to vector<512x128xf32>
    %mul3A_30 = arith.mulf %dot_general3A_28, %mul3A_29 : vector<512x128xf32>
    %swap3A = arith.constant 0 : index
    %swap3A_31 = arith.constant 0 : index
    %swap3A_32 = vector.load %arg6[%swap3A, %swap3A_31] : memref<512x128xf32, #tpu.memory_space<vmem>>, vector<512x128xf32>
    tpu.vector_store %arg6[%swap3A, %swap3A_31], %mul3A_30 {strides = array<i32>} : memref<512x128xf32, #tpu.memory_space<vmem>>, vector<512x128xf32>,
    return
  }
  func.func @transform_0(%arg0: i32) -> (i32, i32) {
    %c0_i32 = arith.constant 0 : i32
    %c0_i32_0 = arith.constant 0 : i32
    return %c0_i32, %arg0 : i32, i32
  }
  func.func @transform_1(%arg0: i32) -> (i32, i32) {
    %c0_i32 = arith.constant 0 : i32
    %c0_i32_0 = arith.constant 0 : i32
    return %arg0, %c0_i32 : i32, i32
  }
  func.func @transform_2(%arg0: i32) -> (i32, i32) {
    %c0_i32 = arith.constant 0 : i32
    %c0_i32_0 = arith.constant 0 : i32
    return %arg0, %c0_i32 : i32, i32
  }
  func.func @transform_3(%arg0: i32) -> (i32, i32) {
    %c0_i32 = arith.constant 0 : i32
    %c0_i32_0 = arith.constant 0 : i32
    %c0_i32_1 = arith.constant 0 : i32
    return %c0_i32, %c0_i32_0 : i32, i32
  }
  func.func @transform_4(%arg0: i32) -> (i32, i32) {
    %c0_i32 = arith.constant 0 : i32
    %c0_i32_0 = arith.constant 0 : i32
    %c0_i32_1 = arith.constant 0 : i32
    return %c0_i32, %c0_i32_0 : i32, i32
  }
  func.func @transform_5(%arg0: i32) -> (i32, i32) {
    %c0_i32 = arith.constant 0 : i32
    %c0_i32_0 = arith.constant 0 : i32
    return %arg0, %c0_i32 : i32, i32
  }
}

module attributes {stable_mosaic.version = 14 : i64} {
  func.func @_fin_body(%arg0: i32, %arg1: memref<2x512xf32, #tpu.memory_space<vmem>>, %arg2: memref<512x128xf32, #tpu.memory_space<vmem>>, %arg3: memref<512x128xf32, #tpu.memory_space<vmem>>, %arg4: memref<1x128xf32, #tpu.memory_space<vmem>>, %arg5: memref<512x128xf32, #tpu.memory_space<vmem>>) attributes {dimension_semantics = [#tpu.dimension_semantics<arbitrary>], iteration_bounds = array<i64: 20>, scalar_prefetch = 0 : i64, scratch_operands = 0 : i64, tpu.core_type = #tpu.core_type<tc>, window_params = [{transform_indices = @transform_0, window_bounds = array<i64: 2, 512>}, {transform_indices = @transform_1, window_bounds = array<i64: 512, 128>}, {transform_indices = @transform_2, window_bounds = array<i64: 512, 128>}, {pipeline_mode = #tpu.pipeline_mode<synchronous>, transform_indices = @transform_3, window_bounds = array<i64: 1, 128>}, {transform_indices = @transform_4, window_bounds = array<i64: 512, 128>}]} {
    %get3A = arith.constant 0 : index
    %get3A_0 = arith.constant 0 : index
    %get3A_1 = vector.load %arg1[%get3A, %get3A_0] : memref<2x512xf32, #tpu.memory_space<vmem>>, vector<1x512xf32>
    %get3A_2 = vector.shape_cast %get3A_1 : vector<1x512xf32> to vector<512xf32>
    %get3A_3 = arith.constant 1 : index
    %get3A_4 = arith.constant 0 : index
    %get3A_5 = vector.load %arg1[%get3A_3, %get3A_4] : memref<2x512xf32, #tpu.memory_space<vmem>>, vector<1x512xf32>
    %get3A_6 = vector.shape_cast %get3A_5 : vector<1x512xf32> to vector<512xf32>
    %add3A = arith.addf %get3A_2, %get3A_6 : vector<512xf32>
    %max3A = arith.constant 1.000000e+00 : f32
    %max3A_7 = vector.broadcast %max3A : f32 to vector<512xf32>
    %max3A_8 = arith.maximumf %add3A, %max3A_7 : vector<512xf32>
    %rsqrt3A = math.rsqrt %max3A_8 : vector<512xf32>
    %broadcast_in_dim3A = vector.shape_cast %rsqrt3A : vector<512xf32> to vector<512x1xf32>
    %get3A_9 = arith.constant 0 : index
    %get3A_10 = arith.constant 0 : index
    %get3A_11 = vector.load %arg2[%get3A_9, %get3A_10] : memref<512x128xf32, #tpu.memory_space<vmem>>, vector<512x128xf32>
    %get3A_12 = arith.constant 0 : index
    %get3A_13 = arith.constant 0 : index
    %get3A_14 = vector.load %arg3[%get3A_12, %get3A_13] : memref<512x128xf32, #tpu.memory_space<vmem>>, vector<512x128xf32>
    %add3A_15 = arith.addf %get3A_11, %get3A_14 : vector<512x128xf32>
    %mul3A = vector.broadcast %broadcast_in_dim3A : vector<512x1xf32> to vector<512x128xf32>
    %mul3A_16 = arith.mulf %add3A_15, %mul3A : vector<512x128xf32>
    %get3A_17 = arith.constant 0 : index
    %get3A_18 = arith.constant 0 : index
    %get3A_19 = vector.load %arg4[%get3A_17, %get3A_18] : memref<1x128xf32, #tpu.memory_space<vmem>>, vector<1x128xf32>
    %add3A_20 = vector.broadcast %get3A_19 : vector<1x128xf32> to vector<512x128xf32>
    %add3A_21 = arith.addf %mul3A_16, %add3A_20 : vector<512x128xf32>
    %swap3A = arith.constant 0 : index
    %swap3A_22 = arith.constant 0 : index
    %swap3A_23 = vector.load %arg5[%swap3A, %swap3A_22] : memref<512x128xf32, #tpu.memory_space<vmem>>, vector<512x128xf32>
    tpu.vector_store %arg5[%swap3A, %swap3A_22], %add3A_21 {strides = array<i32>} : memref<512x128xf32, #tpu.memory_space<vmem>>, vector<512x128xf32>,
    return
  }
  func.func @transform_0(%arg0: i32) -> (i32, i32) {
    %c0_i32 = arith.constant 0 : i32
    %c0_i32_0 = arith.constant 0 : i32
    return %c0_i32, %arg0 : i32, i32
  }
  func.func @transform_1(%arg0: i32) -> (i32, i32) {
    %c0_i32 = arith.constant 0 : i32
    %c0_i32_0 = arith.constant 0 : i32
    return %arg0, %c0_i32 : i32, i32
  }
  func.func @transform_2(%arg0: i32) -> (i32, i32) {
    %c0_i32 = arith.constant 0 : i32
    %c0_i32_0 = arith.constant 0 : i32
    return %arg0, %c0_i32 : i32, i32
  }
  func.func @transform_3(%arg0: i32) -> (i32, i32) {
    %c0_i32 = arith.constant 0 : i32
    %c0_i32_0 = arith.constant 0 : i32
    %c0_i32_1 = arith.constant 0 : i32
    return %c0_i32, %c0_i32_0 : i32, i32
  }
  func.func @transform_4(%arg0: i32) -> (i32, i32) {
    %c0_i32 = arith.constant 0 : i32
    %c0_i32_0 = arith.constant 0 : i32
    return %arg0, %c0_i32 : i32, i32
  }
}

</mosaic_0001>

<sc_bundles>
// kernel: kernel.11.cloned.1.call-start
scs
__scs_entry_jumppad:
0x0: {  	(pc) =	sbr.rel $0x88, $3  }
0x1: {  	(tag) =	ssettag $0x0;
	lr =	simm.s32 $0x1  }
0x2: {  	[smem:$0x3F9B] =	sst lr;
	_ =	strace $0xD0000000  }
0x3: {  	_ = 	snop  }
0x4: {  	_ = 	snop  }
0x5: {  	_ = 	snop  }
0x6: {  	_ = 	snop  }
0x7: {  	_ = 	snop  }
__scs_overlays_trampoline_lowered:
0x8: {  	[smem:$0x3FAA] =	sst s0  }
0x9: {  	[smem:$0x3FAB] =	sst s1  }
0xa: {  	[smem:$0x3FAC] =	sst s2  }
0xb: {  	[smem:$0x3FAD] =	sst s3  }
0xc: {  	[smem:$0x3FAE] =	sst s4  }
0xd: {  	[smem:$0x3FAF] =	sst s5  }
0xe: {  	[smem:$0x3FB0] =	sst s6  }
0xf: {  	[smem:$0x3FB1] =	sst s7  }
0x10: {  	[smem:$0x3FB2] =	sst s8  }
0x11: {  	[smem:$0x3FB3] =	sst s9;
	s0 =	simm.s32 @!p0 $0x0  }
0x12: {  	s1 =	sld [smem:$0x3F99];
	s0 =	simm.s32 @p0 $0x1  }
0x13: {  	[smem:$0x3FB4] =	sst s0;
	s0 =	simm.s32 @!p1 $0x0  }
0x14: {  	s2 =	sld [smem:$0x3F98];
	s0 =	simm.s32 @p1 $0x1  }
0x15: {  	[smem:$0x3FB5] =	sst s0;
	s0 =	simm.s32 @!p2 $0x0  }
0x16: {  	s3 =	sld [smem:$0x3FDB];
	s0 =	simm.s32 @p2 $0x1  }
0x17: {  	s4 =	simm.s32 $0x1BF5;
	[smem:$0x3FB7] =	sst s0  }
0x18: {  	s0 =	sld [smem:$0x3F9A];
	_ =	swait.ge [sflag:s4], $0x0  }
0x19: {  	s7 =	sld [smem:$0x3F9B]  }
0x1a: {  	s8 =	sadd.s32 $0xFFFFE003, lr  }
0x1b: {  	s9 =	sadd.s32 $0xFFFFFEF7, lr;
	s5 =	simm.s32 $0xFFFFFFFF;
	p2 =	slt.u32 s8, $0xFFFFF086  }
0x1c: {  	p1 =	slt.u32 s9, $0xF7A;
	s5 =	simm.s32 @!p2 $0x0  }
0x1d: {  	s5 =	simm.s32 @p1 $0x1;
	p0 =	seq.s32 s7, s2  }
0x1e: {  	s7 =	smul.u32 @!p0 $0xF7A, s2;
	p2 =	seq.s32 @!p0 s5, $0x0  }
0x1f: {  	s9 =	smul.u32 $0xF7A, s1;
	s8 =	simm.s32 @!p0 $0x1BF5;
	p2 =	por !p2, p0  }
0x20: {  	[sflag:s8] =	ssyncset.s32 @!p0 $0xFFFFF086;
	s6 =	sadd.s32 @!p0 s3, s7;
	s7 =	simm.s32 @!p0 $0x108  }
0x21: {  	s3 =	sadd.s32 s3, s9;
	s6 =	sadd.s32 @!p0 $0x88, s6;
	s7 =	simm.s32 @p2 $0x1082  }
0x22: {  	[simem:s7], [sflag:s8] =	dma.local @!p0 [hbm:s6], $0xF7A  }
0x23: {  	s9 =	sor.u32 $0xD0000000, s2;
	s6 =	simm.s32 $0x108;
	_ =	swait.ge @!p0 [sflag:s8], $0x0  }
0x24: {  	s3 =	sadd.s32 $0x88, s3;
	s6 =	simm.s32 @!p1 $0x1082;
	[sflag:s4] =	ssyncset.s32 $0xFFFFF086  }
0x25: {  	[simem:s6], [sflag:s4] =	dma.local [hbm:s3], $0xF7A  }
0x26: {  	[smem:$0x3F9B] =	sst s1;
	(tag) =	ssettag s2;
	_ =	strace s9  }
0x27: {  	s1 =	sld [smem:$0x3FAB]  }
0x28: {  	s2 =	sld [smem:$0x3FAC]  }
0x29: {  	s4 =	sld [smem:$0x3FAE]  }
0x2a: {  	p0 =	seq.s32 s5, $0x0;
	s5 =	sld [smem:$0x3FAF]  }
0x2b: {  	s6 =	sld [smem:$0x3FB0]  }
0x2c: {  	s7 =	sld [smem:$0x3FB1]  }
0x2d: {  	s3 =	simm.s32 $0x108;
	s8 =	sld [smem:$0x3FB2]  }
0x2e: {  	s3 =	simm.s32 @!p0 $0x1082;
	s9 =	sld [smem:$0x3FB3]  }
0x2f: {  	lr =	sadd.s32 s0, s3;
	s0 =	sld [smem:$0x3FAA]  }
0x30: {  	s3 =	sld [smem:$0x3FAD]  }
0x31: {  	[smem:$0x3FB6] =	sst s10  }
0x32: {  	s10 =	sld [smem:$0x3FB4];
	_ =	sdelay $0x3  }
0x33: {  	p0 =	seq.s32 s10, $0x1;
	s10 =	sld [smem:$0x3FB6];
	_ =	sdelay $0x3  }
0x34: {  	[smem:$0x3FB6] =	sst s10  }
0x35: {  	s10 =	sld [smem:$0x3FB5];
	_ =	sdelay $0x3  }
0x36: {  	p1 =	seq.s32 s10, $0x1;
	s10 =	sld [smem:$0x3FB6];
	_ =	sdelay $0x3  }
0x37: {  	[smem:$0x3FB6] =	sst s10  }
0x38: {  	s10 =	sld [smem:$0x3FB7]  }
0x39: {  	_ = 	snop;
	(pc) =	sbr.ind lr, $3  }
0x3a: {  	_ = 	snop  }
0x3b: {  	_ = 	snop  }
0x3c: {  	p2 =	seq.s32 s10, $0x1;
	s10 =	sld [smem:$0x3FB6]  }
0x3d: {  	_ =	shalt  }
0x3e: {  	_ =	shalt  }
0x3f: {  	_ =	shalt  }
0x40: {  	_ =	shalt  }
0x41: {  	_ =	shalt  }
0x42: {  	_ =	shalt  }
0x43: {  	_ =	shalt  }
0x44: {  	_ =	shalt  }
0x45: {  	_ =	shalt  }
0x46: {  	_ =	shalt  }
0x47: {  	_ =	shalt  }
0x48: {  	_ =	shalt  }
0x49: {  	_ =	shalt  }
0x4a: {  	_ =	shalt  }
0x4b: {  	_ =	shalt  }
0x4c: {  	_ =	shalt  }
0x4d: {  	_ =	shalt  }
0x4e: {  	_ =	shalt  }
0x4f: {  	_ =	shalt  }
0x50: {  	_ =	shalt  }
0x51: {  	_ =	shalt  }
0x52: {  	_ =	shalt  }
0x53: {  	_ =	shalt  }
0x54: {  	_ =	shalt  }
0x55: {  	_ =	shalt  }
0x56: {  	_ =	shalt  }
0x57: {  	_ =	shalt  }
0x58: {  	_ =	shalt  }
0x59: {  	_ =	shalt  }
0x5a: {  	_ =	shalt  }
0x5b: {  	_ =	shalt  }
0x5c: {  	_ =	shalt  }
0x5d: {  	_ =	shalt  }
0x5e: {  	_ =	shalt  }
0x5f: {  	_ =	shalt  }
0x60: {  	_ =	shalt  }
0x61: {  	_ =	shalt  }
0x62: {  	_ =	shalt  }
0x63: {  	_ =	shalt  }
0x64: {  	_ =	shalt  }
0x65: {  	_ =	shalt  }
0x66: {  	_ =	shalt  }
0x67: {  	_ =	shalt  }
0x68: {  	_ =	shalt  }
0x69: {  	_ =	shalt  }
0x6a: {  	_ =	shalt  }
0x6b: {  	_ =	shalt  }
0x6c: {  	_ =	shalt  }
0x6d: {  	_ =	shalt  }
0x6e: {  	_ =	shalt  }
0x6f: {  	_ =	shalt  }
0x70: {  	_ =	shalt  }
0x71: {  	_ =	shalt  }
0x72: {  	_ =	shalt  }
0x73: {  	_ =	shalt  }
0x74: {  	_ =	shalt  }
0x75: {  	_ =	shalt  }
0x76: {  	_ =	shalt  }
0x77: {  	_ =	shalt  }
0x78: {  	_ =	shalt  }
0x79: {  	_ =	shalt  }
0x7a: {  	_ =	shalt  }
0x7b: {  	_ =	shalt  }
0x7c: {  	_ =	shalt  }
0x7d: {  	_ =	shalt  }
0x7e: {  	_ =	shalt  }
0x7f: {  	_ =	shalt  }
0x80: {  	_ =	shalt  }
0x81: {  	_ =	shalt  }
0x82: {  	_ =	shalt  }
0x83: {  	_ =	shalt  }
0x84: {  	_ =	shalt  }
0x85: {  	_ =	shalt  }
0x86: {  	_ =	shalt  }
0x87: {  	_ =	shalt  }
.Lfunc_end0:
.L_simem_size_0:
called_computation.1_lowered:
.L_overlay_start_0:
0x88: {  	s2 =	sld [smem:$0x3FD9]  }
0x89: {  	s3 =	sld [smem:$0x3FFE];
	_ =	sdelay $0x1  }
0x8a: {  	s1 =	srdreg.scid  }
0x8b: {  	s0 =	sand.u32 $0x1, s1  }
0x8c: {  	s17 =	sshll.u32 s0, $0xA;
	s2 =	sadd.s32 s3, s2  }
0x8d: {  	s2 =	sadd.s32 s2, s17  }
0x8e: {  	[smem:$0x3FC2] =	sst s2  }
0x8f: {  	_ = 	snop  }
0x90: {  	s2 =	sld [smem:$0x3FD0];
	(tm) =	ssettm $0x1  }
0x91: {  	s18 =	sld [smem:$0x3FFB];
	_ =	sdelay $0x3  }
0x92: {  	_ =	strace s18  }
0x93: {  	s3 =	sld [smem:$0x3FFC];
	_ =	sdelay $0x3  }
0x94: {  	_ =	strace s3  }
0x95: {  	s3 =	sld [smem:$0x3FFD];
	_ =	sdelay $0x3  }
0x96: {  	_ =	strace s3  }
0x97: {  	_ =	strace $0x8FFFFFFF  }
0x98: {  	s19 =	sld [smem:$0x3FDB];
	_ =	sdelay $0x1  }
0x99: {  	s4 =	simm.s32 $_scs_section_size  }
0x9a: {  	s5 =	simm.s32 $_size__tile_overlayer_lowered;
	s6 =	simm.s32 $_tile_overlayer_lowered  }
0x9b: {  	s22 =	simm.s32 $0x1BFF;
	s21 =	sshll.u32 s6, $0x1;
	s3 =	sadd.s32 s4, s19  }
0x9c: {  	s7 =	simm.s32 $0x0;
	s20 =	sshll.u32 s5, $0x1;
	s5 =	sadd.s32 s21, s3  }
0x9d: {  	[timem:s7], [sflag:s22] =	dma.local [hbm:s5], s20  }
0x9e: {  	_ =	swait.ge [sflag:s22], s20  }
0x9f: {  	s4 =	ssub.s32 $0x0, s20;
	[sflag:s22] =	ssyncset.done $0x0  }
0xa0: {  	[sflag:s22] =	ssyncadd.s32 s4;
	_ =	sdelay $0x1  }
0xa1: {  	s23 =	simm.s32 $0x1B8B  }
0xa2: {  	_ =	swait.ge [sflag:s23], $0x1  }
0xa3: {  	[sflag:s23] =	ssyncset.done $0x0  }
0xa4: {  	s25 =	simm.s32 $0x1B8E;
	s24 =	sld [smem:$0x3FFE];
	[sflag:s23] =	ssyncadd.s32 $0xFFFFFFFF  }
0xa5: {  	s26 =	simm.s32 $execute0_lowered;
	[smem:$0x3FD2] =	sst s25  }
0xa6: {  	s5 =	sshll.u32 s26, $0x1;
	_ =	strace $0x80000049;
	[dreg:$0x1] =	wrdreg $0xFFFFFFFF  }
0xa7: {  	s28 =	simm.s32 $_size_execute0_lowered;
	s3 =	sadd.s32 s3, s5;
	[dreg:$0x0] =	wrdreg $0x0  }
0xa8: {  	s5 =	sshll.u32 s28, $0x1;
	[dreg:$0x2] =	wrdreg s3  }
0xa9: {  	[dreg:$0x3] =	wrdreg s5  }
0xaa: {  	[dreg:$0x4] =	wrdreg $0xC0  }
0xab: {  	_ =	task [dreg:s7], $0x5FFFF  }
0xac: {  	[dreg:$0x1] =	wrdreg $0xFFFFFFFF  }
0xad: {  	[dreg:$0x0] =	wrdreg $0x60  }
0xae: {  	[dreg:$0x2] =	wrdreg s24  }
0xaf: {  	[dreg:$0x3] =	wrdreg s2  }
0xb0: {  	[dreg:$0x4] =	wrdreg $0x41000  }
0xb1: {  	[dreg:$0x5] =	wrdreg $0x9  }
0xb2: {  	_ =	task.clear_ibuf [dreg:s7], $0x6FFFF;
	_ =	strace $0x90000049  }
0xb3: {  	s29 =	simm.s32 $0x9;
	_ =	strace $0x8000004B  }
0xb4: {  	_ =	swait.ge [sflag:s29], $0x1  }
0xb5: {  	[sflag:s29] =	ssyncadd.s32 $0xFFFFFFFF  }
0xb6: {  	_ =	strace $0x9000004B  }
0xb7: {  	_ =	sfence  }
0xb8: {  	s30 =	sld [smem:$0x0];
	_ =	sdelay $0x2  }
0xb9: {  	s31 =	sshll.u32 s1, $0xD;
	s1 =	sshrl.u32 s1, $0x2  }
0xba: {  	s3 =	sand.u32 $0x4000, s31;
	s1 =	sadd.s32 s1, s30  }
0xbb: {  	s0 =	sor.u32 s3, s0;
	s1 =	sshll.u32 s1, $0x11  }
0xbc: {  	s0 =	sor.u32 s1, s0  }
0xbd: {  	s0 =	sadd.s32 $0x8F2B, s0  }
0xbe: {  	[sflag:s0] =	ssyncadd.remote.s32 $0x1  }
0xbf: {  	_ =	sfence.sel $0xFFFF  }
0xc0: {  	[dreg:$0x0] =	wrdreg $0xFFFFFFFF;
	(pc) =	sbr.abs _section_cstart, $3  }
0xc1: {  	[dreg:$0x1] =	wrdreg $0xFFFFFFFF  }
0xc2: {  	_ =	task.clear_ibuf [dreg:s7], $0x2FFFF;
	_ =	strace $0x9FFFFFFF  }
0xc3: {  	(tm) =	ssettm $0x7FFFFFFF  }
tec
execute0_lowered:
.L_overlay_start_1:
0x0: {  	(tag) =	ssettag $0x1  }
0x1: {  	s9 =	rddreg [dreg:$0x0]  }
0x2: {  	s1 =	rddreg [dreg:$0x1]  }
0x3: {  	s2 =	rddreg [dreg:$0x2]  }
0x4: {  	s0 =	rddreg [dreg:$0x3]  }
0x5: {  	s3 =	simm.s32 $0x0;
	s4 =	srdreg.scid;
	s15 =	simm.s32 $0x100  }
0x6: {  	s16 =	simm.s32 $0x1;
	s17 =	simm.s32 $0x0;
	[smem:$0x7FF] =	sst s3  }
0x7: {  	s5 =	sadd.s32 $0xD800, s9;
	s8 =	sand.u32 $0x1, s4;
	s6 =	sadd.s32 $0x3800, s9  }
0x8: {  	s4 =	stileid.u32;
	s7 =	sadd.s32 $0x35800, s9;
	_ =	strace $0x8000004A  }
0x9: {  	s10 =	ssub.s32 $0x2, s8;
	s12 =	sshll.u32 s4, $0x1;
	s13 =	smul.u32 $0x50000, s4  }
0xa: {  	p0 =	seq.s32 s8, $0x1;
	s31 =	sshll.u32 s4, $0x6;
	s14 =	smul.u32 $0x2800, s4  }
0xb: {  	s11 =	sshrl.u32 s10, $0x1;
	s29 =	sor.u32 s8, s12;
	s8 =	sor.u32 $0x1C02, s31  }
0xc: {  	s10 =	ssub.s32 s10, s11;
	s30 =	sshrl.u32 s13, $0x2;
	s13 =	simm.s32 $0x60000  }
0xd: {  	s13 =	simm.s32 @!p0 $0x38000;
	s12 =	sadd.s32 s30, s2;
	s10 =	smax.u32 s10, $0x1  }
0xe: {  	s13 =	sadd.s32 s13, s9;
	s9 =	smul.u32 $0x2800, s29;
	s12 =	sshrl.u32 s12, $0x3  }
0xf: {  	s11 =	sadd.s32 s13, s14;
	s13 =	simm.s32 $0x2;
	s14 =	simm.s32 $0x80  }
.LBB2_1:
0x10: {  	[spmem:s12], [sflag:s8] =	dma.local [hbm:s7], $0x2800  }
0x11: {  	s18 =	sand.u32 $0x3C00, s3  }
0x12: {  	s19 =	sand.u32 $0x380, s3;
	_ =	swait.ge [sflag:s13], $0x2800;
	s18 =	sadd.s32 s9, s18  }
0x13: {  	[sflag:s13] =	ssyncset.done $0x0;
	s18 =	sor.u32 s19, s18  }
0x14: {  	[sflag:s13] =	ssyncadd.s32 $0xFFFFD800;
	s18 =	sshrl.u32 s18, $0x3  }
0x15: {  	[bflag:$0x0] =	sbarrier.arrive $0xFFFF;
	s29 =	sadd.s32 s6, s18  }
0x16: {  	[tilespmem:s3], [sflag:$0x2] =	stream.linear.gather [hbm4b:s29+s3], $0x80, $0x38;
	[tilespmem:$0x18100] =	vst v63  }
0x17: {  	_ =	swait.ge [sflag:s13], $0x80  }
0x18: {  	[sflag:s13] =	ssyncset.done $0x0  }
0x19: {  	s18 =	sadd.s32 s1, s18;
	[sflag:s13] =	ssyncadd.s32 $0xFFFFFF80  }
0x1a: {  	[tilespmem:s14], [sflag:$0x2] =	stream.linear.gather [hbm4b:s18+s3], $0x80, $0x38;
	[tilespmem:$0x18100] =	vst v63  }
0x1b: {  	_ =	swait.ge [sflag:s13], $0x80  }
0x1c: {  	[sflag:s13] =	ssyncset.done $0x0  }
0x1d: {  	[sflag:s13] =	ssyncadd.s32 $0xFFFFFF80  }
0x1e: {  	[tilespmem:s15], [sflag:$0x1] =	stream.indirect.gather [hbm4b:s5+s14], $0x80, s3, s14, $0xb8;
	[tilespmem:$0x18100] =	vst v63  }
0x1f: {  	_ =	swait.ge [sflag:s16], $0x4000  }
0x20: {  	s30 =	simm.s32 $0x80;
	[sflag:s16] =	ssyncset.done $0x0  }
0x21: {  	s31 =	sand.u32 $0x3C00, s30;
	[sflag:s16] =	ssyncadd.s32 $0xFFFFC000  }
0x22: {  	[spmem:s2] =	stream.indirect.scatter.add.f32 [tilespmem:s15], [sflag:$0x2], $0x80, s14, s14, $0xb8;
	[tilespmem:$0x18100] =	vst v63  }
0x23: {  	s20 =	sand.u32 $0x380, s30;
	s19 =	sadd.s32 s9, s31;
	_ =	swait.ge [sflag:s13], $0x4000  }
0x24: {  	s19 =	sor.u32 s20, s19;
	s18 =	simm.s32 $0x100;
	[sflag:s13] =	ssyncset.done $0x0  }
.LBB2_2:
0x25: {  	s19 =	sshrl.u32 s19, $0x3  }
0x26: {  	[sflag:s13] =	ssyncadd.s32 $0xFFFFC000;
	s20 =	smov.u32 s18;
	s21 =	sadd.s32 $0x80, s18  }
0x27: {  	p0 =	sne.s32 s18, $0x2780;
	s18 =	sadd.s32 s6, s19  }
0x28: {  	[tilespmem:s3], [sflag:$0x2] =	stream.linear.gather [hbm4b:s18+s3], $0x80, $0x38;
	[tilespmem:$0x18100] =	vst v63  }
0x29: {  	_ =	swait.ge [sflag:s13], $0x80  }
0x2a: {  	[sflag:s13] =	ssyncset.done $0x0  }
0x2b: {  	s18 =	sadd.s32 s1, s19;
	[sflag:s13] =	ssyncadd.s32 $0xFFFFFF80  }
0x2c: {  	[tilespmem:s14], [sflag:$0x2] =	stream.linear.gather [hbm4b:s18+s3], $0x80, $0x38;
	[tilespmem:$0x18100] =	vst v63  }
0x2d: {  	_ =	swait.ge [sflag:s13], $0x80  }
0x2e: {  	[sflag:s13] =	ssyncset.done $0x0  }
0x2f: {  	[sflag:s13] =	ssyncadd.s32 $0xFFFFFF80  }
0x30: {  	[tilespmem:s15], [sflag:$0x1] =	stream.indirect.gather [hbm4b:s5+s14], $0x80, s3, s14, $0xb8;
	[tilespmem:$0x18100] =	vst v63  }
0x31: {  	_ =	swait.ge [sflag:s16], $0x4000  }
.Ltmp0:
0x32: {  	[sflag:s16] =	ssyncset.done $0x0;
	(pc) =	sbr.rel @p0 .LBB2_2-.Ltmp0, $4  }
0x33: {  	s18 =	sand.u32 $0x3C00, s20;
	[sflag:s16] =	ssyncadd.s32 $0xFFFFC000  }
0x34: {  	[spmem:s2] =	stream.indirect.scatter.add.f32 [tilespmem:s15], [sflag:$0x2], $0x80, s14, s14, $0xb8;
	[tilespmem:$0x18100] =	vst v63  }
0x35: {  	s19 =	sand.u32 $0x380, s20;
	s18 =	sadd.s32 s9, s18;
	_ =	swait.ge [sflag:s13], $0x4000  }
0x36: {  	s19 =	sor.u32 s19, s18;
	s18 =	smov.u32 s21;
	[sflag:s13] =	ssyncset.done $0x0  }
0x37: {  	s18 =	sshrl.u32 s19, $0x3  }
0x38: {  	[sflag:s13] =	ssyncadd.s32 $0xFFFFC000;
	s19 =	sadd.s32 s6, s18  }
0x39: {  	[tilespmem:s3], [sflag:$0x2] =	stream.linear.gather [hbm4b:s19+s3], $0x80, $0x38;
	[tilespmem:$0x18100] =	vst v63  }
0x3a: {  	_ =	swait.ge [sflag:s13], $0x80  }
0x3b: {  	[sflag:s13] =	ssyncset.done $0x0  }
0x3c: {  	s18 =	sadd.s32 s1, s18;
	[sflag:s13] =	ssyncadd.s32 $0xFFFFFF80  }
0x3d: {  	[tilespmem:s14], [sflag:$0x2] =	stream.linear.gather [hbm4b:s18+s3], $0x80, $0x38;
	[tilespmem:$0x18100] =	vst v63  }
0x3e: {  	_ =	swait.ge [sflag:s13], $0x80  }
0x3f: {  	[sflag:s13] =	ssyncset.done $0x0  }
0x40: {  	[sflag:s13] =	ssyncadd.s32 $0xFFFFFF80  }
0x41: {  	[tilespmem:s15], [sflag:$0x1] =	stream.indirect.gather [hbm4b:s5+s14], $0x80, s3, s14, $0xb8;
	[tilespmem:$0x18100] =	vst v63  }
0x42: {  	_ =	swait.ge [sflag:s16], $0x4000  }
0x43: {  	[sflag:s16] =	ssyncset.done $0x0  }
0x44: {  	[sflag:s16] =	ssyncadd.s32 $0xFFFFC000  }
0x45: {  	[spmem:s2] =	stream.indirect.scatter.add.f32 [tilespmem:s15], [sflag:$0x2], $0x80, s14, s14, $0xb8;
	[tilespmem:$0x18100] =	vst v63  }
0x46: {  	_ =	swait.ge [sflag:s13], $0x4000  }
0x47: {  	s17 =	sadd.s32 $0x1, s17;
	[sflag:s13] =	ssyncset.done $0x0  }
0x48: {  	p0 =	sne.s32 s17, s10;
	[sflag:s13] =	ssyncadd.s32 $0xFFFFC000  }
.Ltmp1:
0x49: {  	[bflag:$0x0] =	sbarrier.arrive $0xFFFF;
	(pc) =	sbr.rel @p0 .LBB2_1-.Ltmp1, $4  }
0x4a: {  	[hbm:s11], [sflag:s8] =	dma.local [spmem:s12], $0x2800  }
0x4b: {  	_ =	swait.ge [sflag:s13], $0x2800  }
0x4c: {  	[sflag:s13] =	ssyncset.done $0x0  }
0x4d: {  	[sflag:s13] =	ssyncadd.s32 $0xFFFFD800  }
0x4e: {  	_ =	sfence.sel $0x180000  }
0x4f: {  	[bflag:$0x0] =	sbarrier.arrive $0xFFFF  }
0x50: {  	p0 =	sne.s32 s4, $0x0;
	_ =	strace $0x9000004A  }
0x51: {  	s0 =	sadd.s32 @!p0 $0x100000, s0;
	[bflag:$0x2] =	sbarrier.arrive $0xFFFF  }
0x52: {  	[sflag:s0] =	ssyncadd.tile.s32 @!p0 $0x1;
	_ =	shalt  }
.Lfunc_end2:
_tile_overlayer_lowered:
.L_overlay_start_2:
0x53: {  	(tag) =	ssettag $0x2  }
0x54: {  	s0 =	rddreg [dreg:$0x0];
	s2 =	stileid.u32  }
0x55: {  	s1 =	rddreg [dreg:$0x1];
	p0 =	sne.s32 s2, $0x0  }
0x56: {  	s3 =	rddreg [dreg:$0x2];
	[bflag:$0x3] =	sbarrier.arrive $0xFFFF;
	s2 =	simm.s32 @!p0 $0x1C02  }
0x57: {  	[timem:s3], [sflag:s2] =	dma.local @!p0 [hbm:s0], s1  }
0x58: {  	s0 =	simm.s32 @!p0 $0x2  }
0x59: {  	_ =	swait.ge @!p0 [sflag:s0], s1  }
0x5a: {  	s1 =	ssub.s32 @!p0 $0x0, s1;
	[sflag:s0] =	ssyncset.done @!p0 $0x0  }
0x5b: {  	[sflag:s0] =	ssyncadd.s32 @!p0 s1  }
0x5c: {  	[bflag:$0x3] =	sbarrier.arrive $0xFFFF  }
0x5d: {  	_ =	shalt  }

// kernel: kernel.14.cloned.1.call-start
scs
__scs_entry_jumppad:
0x0: {  	(pc) =	sbr.rel $0x88, $3  }
0x1: {  	(tag) =	ssettag $0x0;
	lr =	simm.s32 $0x1  }
0x2: {  	[smem:$0x3F9B] =	sst lr;
	_ =	strace $0xD0000000  }
0x3: {  	_ = 	snop  }
0x4: {  	_ = 	snop  }
0x5: {  	_ = 	snop  }
0x6: {  	_ = 	snop  }
0x7: {  	_ = 	snop  }
__scs_overlays_trampoline_lowered:
0x8: {  	[smem:$0x3FAA] =	sst s0  }
0x9: {  	[smem:$0x3FAB] =	sst s1  }
0xa: {  	[smem:$0x3FAC] =	sst s2  }
0xb: {  	[smem:$0x3FAD] =	sst s3  }
0xc: {  	[smem:$0x3FAE] =	sst s4  }
0xd: {  	[smem:$0x3FAF] =	sst s5  }
0xe: {  	[smem:$0x3FB0] =	sst s6  }
0xf: {  	[smem:$0x3FB1] =	sst s7  }
0x10: {  	[smem:$0x3FB2] =	sst s8  }
0x11: {  	[smem:$0x3FB3] =	sst s9;
	s0 =	simm.s32 @!p0 $0x0  }
0x12: {  	s1 =	sld [smem:$0x3F99];
	s0 =	simm.s32 @p0 $0x1  }
0x13: {  	[smem:$0x3FB4] =	sst s0;
	s0 =	simm.s32 @!p1 $0x0  }
0x14: {  	s2 =	sld [smem:$0x3F98];
	s0 =	simm.s32 @p1 $0x1  }
0x15: {  	[smem:$0x3FB5] =	sst s0;
	s0 =	simm.s32 @!p2 $0x0  }
0x16: {  	s3 =	sld [smem:$0x3FDB];
	s0 =	simm.s32 @p2 $0x1  }
0x17: {  	s4 =	simm.s32 $0x1BF5;
	[smem:$0x3FB7] =	sst s0  }
0x18: {  	s0 =	sld [smem:$0x3F9A];
	_ =	swait.ge [sflag:s4], $0x0  }
0x19: {  	s7 =	sld [smem:$0x3F9B]  }
0x1a: {  	s8 =	sadd.s32 $0xFFFFE003, lr  }
0x1b: {  	s9 =	sadd.s32 $0xFFFFFEF7, lr;
	s5 =	simm.s32 $0xFFFFFFFF;
	p2 =	slt.u32 s8, $0xFFFFF086  }
0x1c: {  	p1 =	slt.u32 s9, $0xF7A;
	s5 =	simm.s32 @!p2 $0x0  }
0x1d: {  	s5 =	simm.s32 @p1 $0x1;
	p0 =	seq.s32 s7, s2  }
0x1e: {  	s7 =	smul.u32 @!p0 $0xF7A, s2;
	p2 =	seq.s32 @!p0 s5, $0x0  }
0x1f: {  	s9 =	smul.u32 $0xF7A, s1;
	s8 =	simm.s32 @!p0 $0x1BF5;
	p2 =	por !p2, p0  }
0x20: {  	[sflag:s8] =	ssyncset.s32 @!p0 $0xFFFFF086;
	s6 =	sadd.s32 @!p0 s3, s7;
	s7 =	simm.s32 @!p0 $0x108  }
0x21: {  	s3 =	sadd.s32 s3, s9;
	s6 =	sadd.s32 @!p0 $0x88, s6;
	s7 =	simm.s32 @p2 $0x1082  }
0x22: {  	[simem:s7], [sflag:s8] =	dma.local @!p0 [hbm:s6], $0xF7A  }
0x23: {  	s9 =	sor.u32 $0xD0000000, s2;
	s6 =	simm.s32 $0x108;
	_ =	swait.ge @!p0 [sflag:s8], $0x0  }
0x24: {  	s3 =	sadd.s32 $0x88, s3;
	s6 =	simm.s32 @!p1 $0x1082;
	[sflag:s4] =	ssyncset.s32 $0xFFFFF086  }
0x25: {  	[simem:s6], [sflag:s4] =	dma.local [hbm:s3], $0xF7A  }
0x26: {  	[smem:$0x3F9B] =	sst s1;
	(tag) =	ssettag s2;
	_ =	strace s9  }
0x27: {  	s1 =	sld [smem:$0x3FAB]  }
0x28: {  	s2 =	sld [smem:$0x3FAC]  }
0x29: {  	s4 =	sld [smem:$0x3FAE]  }
0x2a: {  	p0 =	seq.s32 s5, $0x0;
	s5 =	sld [smem:$0x3FAF]  }
0x2b: {  	s6 =	sld [smem:$0x3FB0]  }
0x2c: {  	s7 =	sld [smem:$0x3FB1]  }
0x2d: {  	s3 =	simm.s32 $0x108;
	s8 =	sld [smem:$0x3FB2]  }
0x2e: {  	s3 =	simm.s32 @!p0 $0x1082;
	s9 =	sld [smem:$0x3FB3]  }
0x2f: {  	lr =	sadd.s32 s0, s3;
	s0 =	sld [smem:$0x3FAA]  }
0x30: {  	s3 =	sld [smem:$0x3FAD]  }
0x31: {  	[smem:$0x3FB6] =	sst s10  }
0x32: {  	s10 =	sld [smem:$0x3FB4];
	_ =	sdelay $0x3  }
0x33: {  	p0 =	seq.s32 s10, $0x1;
	s10 =	sld [smem:$0x3FB6];
	_ =	sdelay $0x3  }
0x34: {  	[smem:$0x3FB6] =	sst s10  }
0x35: {  	s10 =	sld [smem:$0x3FB5];
	_ =	sdelay $0x3  }
0x36: {  	p1 =	seq.s32 s10, $0x1;
	s10 =	sld [smem:$0x3FB6];
	_ =	sdelay $0x3  }
0x37: {  	[smem:$0x3FB6] =	sst s10  }
0x38: {  	s10 =	sld [smem:$0x3FB7]  }
0x39: {  	_ = 	snop;
	(pc) =	sbr.ind lr, $3  }
0x3a: {  	_ = 	snop  }
0x3b: {  	_ = 	snop  }
0x3c: {  	p2 =	seq.s32 s10, $0x1;
	s10 =	sld [smem:$0x3FB6]  }
0x3d: {  	_ =	shalt  }
0x3e: {  	_ =	shalt  }
0x3f: {  	_ =	shalt  }
0x40: {  	_ =	shalt  }
0x41: {  	_ =	shalt  }
0x42: {  	_ =	shalt  }
0x43: {  	_ =	shalt  }
0x44: {  	_ =	shalt  }
0x45: {  	_ =	shalt  }
0x46: {  	_ =	shalt  }
0x47: {  	_ =	shalt  }
0x48: {  	_ =	shalt  }
0x49: {  	_ =	shalt  }
0x4a: {  	_ =	shalt  }
0x4b: {  	_ =	shalt  }
0x4c: {  	_ =	shalt  }
0x4d: {  	_ =	shalt  }
0x4e: {  	_ =	shalt  }
0x4f: {  	_ =	shalt  }
0x50: {  	_ =	shalt  }
0x51: {  	_ =	shalt  }
0x52: {  	_ =	shalt  }
0x53: {  	_ =	shalt  }
0x54: {  	_ =	shalt  }
0x55: {  	_ =	shalt  }
0x56: {  	_ =	shalt  }
0x57: {  	_ =	shalt  }
0x58: {  	_ =	shalt  }
0x59: {  	_ =	shalt  }
0x5a: {  	_ =	shalt  }
0x5b: {  	_ =	shalt  }
0x5c: {  	_ =	shalt  }
0x5d: {  	_ =	shalt  }
0x5e: {  	_ =	shalt  }
0x5f: {  	_ =	shalt  }
0x60: {  	_ =	shalt  }
0x61: {  	_ =	shalt  }
0x62: {  	_ =	shalt  }
0x63: {  	_ =	shalt  }
0x64: {  	_ =	shalt  }
0x65: {  	_ =	shalt  }
0x66: {  	_ =	shalt  }
0x67: {  	_ =	shalt  }
0x68: {  	_ =	shalt  }
0x69: {  	_ =	shalt  }
0x6a: {  	_ =	shalt  }
0x6b: {  	_ =	shalt  }
0x6c: {  	_ =	shalt  }
0x6d: {  	_ =	shalt  }
0x6e: {  	_ =	shalt  }
0x6f: {  	_ =	shalt  }
0x70: {  	_ =	shalt  }
0x71: {  	_ =	shalt  }
0x72: {  	_ =	shalt  }
0x73: {  	_ =	shalt  }
0x74: {  	_ =	shalt  }
0x75: {  	_ =	shalt  }
0x76: {  	_ =	shalt  }
0x77: {  	_ =	shalt  }
0x78: {  	_ =	shalt  }
0x79: {  	_ =	shalt  }
0x7a: {  	_ =	shalt  }
0x7b: {  	_ =	shalt  }
0x7c: {  	_ =	shalt  }
0x7d: {  	_ =	shalt  }
0x7e: {  	_ =	shalt  }
0x7f: {  	_ =	shalt  }
0x80: {  	_ =	shalt  }
0x81: {  	_ =	shalt  }
0x82: {  	_ =	shalt  }
0x83: {  	_ =	shalt  }
0x84: {  	_ =	shalt  }
0x85: {  	_ =	shalt  }
0x86: {  	_ =	shalt  }
0x87: {  	_ =	shalt  }
.Lfunc_end0:
.L_simem_size_0:
called_computation.2_lowered:
.L_overlay_start_0:
0x88: {  	s2 =	sld [smem:$0x3FD9]  }
0x89: {  	s3 =	sld [smem:$0x3FFE];
	_ =	sdelay $0x1  }
0x8a: {  	s1 =	srdreg.scid  }
0x8b: {  	s0 =	sand.u32 $0x1, s1  }
0x8c: {  	s17 =	sshll.u32 s0, $0xA;
	s2 =	sadd.s32 s3, s2  }
0x8d: {  	s2 =	sadd.s32 s2, s17  }
0x8e: {  	[smem:$0x3FC2] =	sst s2  }
0x8f: {  	_ = 	snop  }
0x90: {  	s2 =	sld [smem:$0x3FD0];
	(tm) =	ssettm $0x1  }
0x91: {  	s18 =	sld [smem:$0x3FFB];
	_ =	sdelay $0x3  }
0x92: {  	_ =	strace s18  }
0x93: {  	s3 =	sld [smem:$0x3FFC];
	_ =	sdelay $0x3  }
0x94: {  	_ =	strace s3  }
0x95: {  	s3 =	sld [smem:$0x3FFD];
	_ =	sdelay $0x3  }
0x96: {  	_ =	strace s3  }
0x97: {  	_ =	strace $0x8FFFFFFF  }
0x98: {  	s19 =	sld [smem:$0x3FDB];
	_ =	sdelay $0x1  }
0x99: {  	s4 =	simm.s32 $_scs_section_size  }
0x9a: {  	s5 =	simm.s32 $_size__tile_overlayer_lowered;
	s6 =	simm.s32 $_tile_overlayer_lowered  }
0x9b: {  	s22 =	simm.s32 $0x1BFF;
	s21 =	sshll.u32 s6, $0x1;
	s3 =	sadd.s32 s4, s19  }
0x9c: {  	s7 =	simm.s32 $0x0;
	s20 =	sshll.u32 s5, $0x1;
	s5 =	sadd.s32 s21, s3  }
0x9d: {  	[timem:s7], [sflag:s22] =	dma.local [hbm:s5], s20  }
0x9e: {  	_ =	swait.ge [sflag:s22], s20  }
0x9f: {  	s4 =	ssub.s32 $0x0, s20;
	[sflag:s22] =	ssyncset.done $0x0  }
0xa0: {  	[sflag:s22] =	ssyncadd.s32 s4;
	_ =	sdelay $0x1  }
0xa1: {  	s23 =	simm.s32 $0x1B8B  }
0xa2: {  	_ =	swait.ge [sflag:s23], $0x1  }
0xa3: {  	[sflag:s23] =	ssyncset.done $0x0  }
0xa4: {  	s25 =	simm.s32 $0x1B8E;
	s24 =	sld [smem:$0x3FFE];
	[sflag:s23] =	ssyncadd.s32 $0xFFFFFFFF  }
0xa5: {  	s26 =	simm.s32 $execute0_lowered;
	[smem:$0x3FD2] =	sst s25  }
0xa6: {  	s5 =	sshll.u32 s26, $0x1;
	_ =	strace $0x8000004C;
	[dreg:$0x1] =	wrdreg $0xFFFFFFFF  }
0xa7: {  	s28 =	simm.s32 $_size_execute0_lowered;
	s3 =	sadd.s32 s3, s5;
	[dreg:$0x0] =	wrdreg $0x0  }
0xa8: {  	s5 =	sshll.u32 s28, $0x1;
	[dreg:$0x2] =	wrdreg s3  }
0xa9: {  	[dreg:$0x3] =	wrdreg s5  }
0xaa: {  	[dreg:$0x4] =	wrdreg $0xC0  }
0xab: {  	_ =	task [dreg:s7], $0x5FFFF  }
0xac: {  	[dreg:$0x1] =	wrdreg $0xFFFFFFFF  }
0xad: {  	[dreg:$0x0] =	wrdreg $0x60  }
0xae: {  	[dreg:$0x2] =	wrdreg s24  }
0xaf: {  	[dreg:$0x3] =	wrdreg s2  }
0xb0: {  	[dreg:$0x4] =	wrdreg $0x41000  }
0xb1: {  	[dreg:$0x5] =	wrdreg $0x9  }
0xb2: {  	_ =	task.clear_ibuf [dreg:s7], $0x6FFFF;
	_ =	strace $0x9000004C  }
0xb3: {  	s29 =	simm.s32 $0x9;
	_ =	strace $0x8000004E  }
0xb4: {  	_ =	swait.ge [sflag:s29], $0x1  }
0xb5: {  	[sflag:s29] =	ssyncadd.s32 $0xFFFFFFFF  }
0xb6: {  	_ =	strace $0x9000004E  }
0xb7: {  	_ =	sfence  }
0xb8: {  	s30 =	sld [smem:$0x0];
	_ =	sdelay $0x2  }
0xb9: {  	s31 =	sshll.u32 s1, $0xD;
	s1 =	sshrl.u32 s1, $0x2  }
0xba: {  	s3 =	sand.u32 $0x4000, s31;
	s1 =	sadd.s32 s1, s30  }
0xbb: {  	s0 =	sor.u32 s3, s0;
	s1 =	sshll.u32 s1, $0x11  }
0xbc: {  	s0 =	sor.u32 s1, s0  }
0xbd: {  	s0 =	sadd.s32 $0x8F2B, s0  }
0xbe: {  	[sflag:s0] =	ssyncadd.remote.s32 $0x1  }
0xbf: {  	_ =	sfence.sel $0xFFFF  }
0xc0: {  	[dreg:$0x0] =	wrdreg $0xFFFFFFFF;
	(pc) =	sbr.abs _section_cstart, $3  }
0xc1: {  	[dreg:$0x1] =	wrdreg $0xFFFFFFFF  }
0xc2: {  	_ =	task.clear_ibuf [dreg:s7], $0x2FFFF;
	_ =	strace $0x9FFFFFFF  }
0xc3: {  	(tm) =	ssettm $0x7FFFFFFF  }
tec
execute0_lowered:
.L_overlay_start_1:
0x0: {  	(tag) =	ssettag $0x1  }
0x1: {  	s9 =	rddreg [dreg:$0x0]  }
0x2: {  	s1 =	rddreg [dreg:$0x1]  }
0x3: {  	s2 =	rddreg [dreg:$0x2]  }
0x4: {  	s0 =	rddreg [dreg:$0x3]  }
0x5: {  	s3 =	simm.s32 $0x0;
	s4 =	srdreg.scid;
	s15 =	simm.s32 $0x100  }
0x6: {  	s16 =	simm.s32 $0x1;
	s17 =	simm.s32 $0x0;
	[smem:$0x7FF] =	sst s3  }
0x7: {  	s5 =	sadd.s32 $0xD800, s9;
	s8 =	sand.u32 $0x1, s4;
	s6 =	sadd.s32 $0x3800, s9  }
0x8: {  	s4 =	stileid.u32;
	s7 =	sadd.s32 $0x35800, s9;
	_ =	strace $0x8000004D  }
0x9: {  	s10 =	ssub.s32 $0x2, s8;
	s12 =	sshll.u32 s4, $0x1;
	s13 =	smul.u32 $0x50000, s4  }
0xa: {  	p0 =	seq.s32 s8, $0x1;
	s31 =	sshll.u32 s4, $0x6;
	s14 =	smul.u32 $0x2800, s4  }
0xb: {  	s11 =	sshrl.u32 s10, $0x1;
	s29 =	sor.u32 s8, s12;
	s8 =	sor.u32 $0x1C02, s31  }
0xc: {  	s10 =	ssub.s32 s10, s11;
	s30 =	sshrl.u32 s13, $0x2;
	s13 =	simm.s32 $0x60000  }
0xd: {  	s13 =	simm.s32 @!p0 $0x38000;
	s12 =	sadd.s32 s30, s2;
	s10 =	smax.u32 s10, $0x1  }
0xe: {  	s13 =	sadd.s32 s13, s9;
	s9 =	smul.u32 $0x2800, s29;
	s12 =	sshrl.u32 s12, $0x3  }
0xf: {  	s11 =	sadd.s32 s13, s14;
	s13 =	simm.s32 $0x2;
	s14 =	simm.s32 $0x80  }
.LBB2_1:
0x10: {  	[spmem:s12], [sflag:s8] =	dma.local [hbm:s7], $0x2800  }
0x11: {  	s18 =	sand.u32 $0x3C00, s3  }
0x12: {  	s19 =	sand.u32 $0x380, s3;
	_ =	swait.ge [sflag:s13], $0x2800;
	s18 =	sadd.s32 s9, s18  }
0x13: {  	[sflag:s13] =	ssyncset.done $0x0;
	s18 =	sor.u32 s19, s18  }
0x14: {  	[sflag:s13] =	ssyncadd.s32 $0xFFFFD800;
	s18 =	sshrl.u32 s18, $0x3  }
0x15: {  	[bflag:$0x0] =	sbarrier.arrive $0xFFFF;
	s29 =	sadd.s32 s6, s18  }
0x16: {  	[tilespmem:s3], [sflag:$0x2] =	stream.linear.gather [hbm4b:s29+s3], $0x80, $0x38;
	[tilespmem:$0x18100] =	vst v63  }
0x17: {  	_ =	swait.ge [sflag:s13], $0x80  }
0x18: {  	[sflag:s13] =	ssyncset.done $0x0  }
0x19: {  	s18 =	sadd.s32 s1, s18;
	[sflag:s13] =	ssyncadd.s32 $0xFFFFFF80  }
0x1a: {  	[tilespmem:s14], [sflag:$0x2] =	stream.linear.gather [hbm4b:s18+s3], $0x80, $0x38;
	[tilespmem:$0x18100] =	vst v63  }
0x1b: {  	_ =	swait.ge [sflag:s13], $0x80  }
0x1c: {  	[sflag:s13] =	ssyncset.done $0x0  }
0x1d: {  	[sflag:s13] =	ssyncadd.s32 $0xFFFFFF80  }
0x1e: {  	[tilespmem:s15], [sflag:$0x1] =	stream.indirect.gather [hbm4b:s5+s14], $0x80, s3, s14, $0xb8;
	[tilespmem:$0x18100] =	vst v63  }
0x1f: {  	_ =	swait.ge [sflag:s16], $0x4000  }
0x20: {  	s30 =	simm.s32 $0x80;
	[sflag:s16] =	ssyncset.done $0x0  }
0x21: {  	s31 =	sand.u32 $0x3C00, s30;
	[sflag:s16] =	ssyncadd.s32 $0xFFFFC000  }
0x22: {  	[spmem:s2] =	stream.indirect.scatter.add.f32 [tilespmem:s15], [sflag:$0x2], $0x80, s14, s14, $0xb8;
	[tilespmem:$0x18100] =	vst v63  }
0x23: {  	s20 =	sand.u32 $0x380, s30;
	s19 =	sadd.s32 s9, s31;
	_ =	swait.ge [sflag:s13], $0x4000  }
0x24: {  	s19 =	sor.u32 s20, s19;
	s18 =	simm.s32 $0x100;
	[sflag:s13] =	ssyncset.done $0x0  }
.LBB2_2:
0x25: {  	s19 =	sshrl.u32 s19, $0x3  }
0x26: {  	[sflag:s13] =	ssyncadd.s32 $0xFFFFC000;
	s20 =	smov.u32 s18;
	s21 =	sadd.s32 $0x80, s18  }
0x27: {  	p0 =	sne.s32 s18, $0x2780;
	s18 =	sadd.s32 s6, s19  }
0x28: {  	[tilespmem:s3], [sflag:$0x2] =	stream.linear.gather [hbm4b:s18+s3], $0x80, $0x38;
	[tilespmem:$0x18100] =	vst v63  }
0x29: {  	_ =	swait.ge [sflag:s13], $0x80  }
0x2a: {  	[sflag:s13] =	ssyncset.done $0x0  }
0x2b: {  	s18 =	sadd.s32 s1, s19;
	[sflag:s13] =	ssyncadd.s32 $0xFFFFFF80  }
0x2c: {  	[tilespmem:s14], [sflag:$0x2] =	stream.linear.gather [hbm4b:s18+s3], $0x80, $0x38;
	[tilespmem:$0x18100] =	vst v63  }
0x2d: {  	_ =	swait.ge [sflag:s13], $0x80  }
0x2e: {  	[sflag:s13] =	ssyncset.done $0x0  }
0x2f: {  	[sflag:s13] =	ssyncadd.s32 $0xFFFFFF80  }
0x30: {  	[tilespmem:s15], [sflag:$0x1] =	stream.indirect.gather [hbm4b:s5+s14], $0x80, s3, s14, $0xb8;
	[tilespmem:$0x18100] =	vst v63  }
0x31: {  	_ =	swait.ge [sflag:s16], $0x4000  }
.Ltmp0:
0x32: {  	[sflag:s16] =	ssyncset.done $0x0;
	(pc) =	sbr.rel @p0 .LBB2_2-.Ltmp0, $4  }
0x33: {  	s18 =	sand.u32 $0x3C00, s20;
	[sflag:s16] =	ssyncadd.s32 $0xFFFFC000  }
0x34: {  	[spmem:s2] =	stream.indirect.scatter.add.f32 [tilespmem:s15], [sflag:$0x2], $0x80, s14, s14, $0xb8;
	[tilespmem:$0x18100] =	vst v63  }
0x35: {  	s19 =	sand.u32 $0x380, s20;
	s18 =	sadd.s32 s9, s18;
	_ =	swait.ge [sflag:s13], $0x4000  }
0x36: {  	s19 =	sor.u32 s19, s18;
	s18 =	smov.u32 s21;
	[sflag:s13] =	ssyncset.done $0x0  }
0x37: {  	s18 =	sshrl.u32 s19, $0x3  }
0x38: {  	[sflag:s13] =	ssyncadd.s32 $0xFFFFC000;
	s19 =	sadd.s32 s6, s18  }
0x39: {  	[tilespmem:s3], [sflag:$0x2] =	stream.linear.gather [hbm4b:s19+s3], $0x80, $0x38;
	[tilespmem:$0x18100] =	vst v63  }
0x3a: {  	_ =	swait.ge [sflag:s13], $0x80  }
0x3b: {  	[sflag:s13] =	ssyncset.done $0x0  }
0x3c: {  	s18 =	sadd.s32 s1, s18;
	[sflag:s13] =	ssyncadd.s32 $0xFFFFFF80  }
0x3d: {  	[tilespmem:s14], [sflag:$0x2] =	stream.linear.gather [hbm4b:s18+s3], $0x80, $0x38;
	[tilespmem:$0x18100] =	vst v63  }
0x3e: {  	_ =	swait.ge [sflag:s13], $0x80  }
0x3f: {  	[sflag:s13] =	ssyncset.done $0x0  }
0x40: {  	[sflag:s13] =	ssyncadd.s32 $0xFFFFFF80  }
0x41: {  	[tilespmem:s15], [sflag:$0x1] =	stream.indirect.gather [hbm4b:s5+s14], $0x80, s3, s14, $0xb8;
	[tilespmem:$0x18100] =	vst v63  }
0x42: {  	_ =	swait.ge [sflag:s16], $0x4000  }
0x43: {  	[sflag:s16] =	ssyncset.done $0x0  }
0x44: {  	[sflag:s16] =	ssyncadd.s32 $0xFFFFC000  }
0x45: {  	[spmem:s2] =	stream.indirect.scatter.add.f32 [tilespmem:s15], [sflag:$0x2], $0x80, s14, s14, $0xb8;
	[tilespmem:$0x18100] =	vst v63  }
0x46: {  	_ =	swait.ge [sflag:s13], $0x4000  }
0x47: {  	s17 =	sadd.s32 $0x1, s17;
	[sflag:s13] =	ssyncset.done $0x0  }
0x48: {  	p0 =	sne.s32 s17, s10;
	[sflag:s13] =	ssyncadd.s32 $0xFFFFC000  }
.Ltmp1:
0x49: {  	[bflag:$0x0] =	sbarrier.arrive $0xFFFF;
	(pc) =	sbr.rel @p0 .LBB2_1-.Ltmp1, $4  }
0x4a: {  	[hbm:s11], [sflag:s8] =	dma.local [spmem:s12], $0x2800  }
0x4b: {  	_ =	swait.ge [sflag:s13], $0x2800  }
0x4c: {  	[sflag:s13] =	ssyncset.done $0x0  }
0x4d: {  	[sflag:s13] =	ssyncadd.s32 $0xFFFFD800  }
0x4e: {  	_ =	sfence.sel $0x180000  }
0x4f: {  	[bflag:$0x0] =	sbarrier.arrive $0xFFFF  }
0x50: {  	p0 =	sne.s32 s4, $0x0;
	_ =	strace $0x9000004D  }
0x51: {  	s0 =	sadd.s32 @!p0 $0x100000, s0;
	[bflag:$0x2] =	sbarrier.arrive $0xFFFF  }
0x52: {  	[sflag:s0] =	ssyncadd.tile.s32 @!p0 $0x1;
	_ =	shalt  }
.Lfunc_end2:
_tile_overlayer_lowered:
.L_overlay_start_2:
0x53: {  	(tag) =	ssettag $0x2  }
0x54: {  	s0 =	rddreg [dreg:$0x0];
	s2 =	stileid.u32  }
0x55: {  	s1 =	rddreg [dreg:$0x1];
	p0 =	sne.s32 s2, $0x0  }
0x56: {  	s3 =	rddreg [dreg:$0x2];
	[bflag:$0x3] =	sbarrier.arrive $0xFFFF;
	s2 =	simm.s32 @!p0 $0x1C02  }
0x57: {  	[timem:s3], [sflag:s2] =	dma.local @!p0 [hbm:s0], s1  }
0x58: {  	s0 =	simm.s32 @!p0 $0x2  }
0x59: {  	_ =	swait.ge @!p0 [sflag:s0], s1  }
0x5a: {  	s1 =	ssub.s32 @!p0 $0x0, s1;
	[sflag:s0] =	ssyncset.done @!p0 $0x0  }
0x5b: {  	[sflag:s0] =	ssyncadd.s32 @!p0 s1  }
0x5c: {  	[bflag:$0x3] =	sbarrier.arrive $0xFFFF  }
0x5d: {  	_ =	shalt  }

// kernel: kernel.8.cloned.1.call-start
scs
__scs_entry_jumppad:
0x0: {  	(pc) =	sbr.rel $0x88, $3  }
0x1: {  	(tag) =	ssettag $0x0;
	lr =	simm.s32 $0x1  }
0x2: {  	[smem:$0x3F9B] =	sst lr;
	_ =	strace $0xD0000000  }
0x3: {  	_ = 	snop  }
0x4: {  	_ = 	snop  }
0x5: {  	_ = 	snop  }
0x6: {  	_ = 	snop  }
0x7: {  	_ = 	snop  }
__scs_overlays_trampoline_lowered:
0x8: {  	[smem:$0x3FAA] =	sst s0  }
0x9: {  	[smem:$0x3FAB] =	sst s1  }
0xa: {  	[smem:$0x3FAC] =	sst s2  }
0xb: {  	[smem:$0x3FAD] =	sst s3  }
0xc: {  	[smem:$0x3FAE] =	sst s4  }
0xd: {  	[smem:$0x3FAF] =	sst s5  }
0xe: {  	[smem:$0x3FB0] =	sst s6  }
0xf: {  	[smem:$0x3FB1] =	sst s7  }
0x10: {  	[smem:$0x3FB2] =	sst s8  }
0x11: {  	[smem:$0x3FB3] =	sst s9;
	s0 =	simm.s32 @!p0 $0x0  }
0x12: {  	s1 =	sld [smem:$0x3F99];
	s0 =	simm.s32 @p0 $0x1  }
0x13: {  	[smem:$0x3FB4] =	sst s0;
	s0 =	simm.s32 @!p1 $0x0  }
0x14: {  	s2 =	sld [smem:$0x3F98];
	s0 =	simm.s32 @p1 $0x1  }
0x15: {  	[smem:$0x3FB5] =	sst s0;
	s0 =	simm.s32 @!p2 $0x0  }
0x16: {  	s3 =	sld [smem:$0x3FDB];
	s0 =	simm.s32 @p2 $0x1  }
0x17: {  	s4 =	simm.s32 $0x1BF5;
	[smem:$0x3FB7] =	sst s0  }
0x18: {  	s0 =	sld [smem:$0x3F9A];
	_ =	swait.ge [sflag:s4], $0x0  }
0x19: {  	s7 =	sld [smem:$0x3F9B]  }
0x1a: {  	s8 =	sadd.s32 $0xFFFFE003, lr  }
0x1b: {  	s9 =	sadd.s32 $0xFFFFFEF7, lr;
	s5 =	simm.s32 $0xFFFFFFFF;
	p2 =	slt.u32 s8, $0xFFFFF086  }
0x1c: {  	p1 =	slt.u32 s9, $0xF7A;
	s5 =	simm.s32 @!p2 $0x0  }
0x1d: {  	s5 =	simm.s32 @p1 $0x1;
	p0 =	seq.s32 s7, s2  }
0x1e: {  	s7 =	smul.u32 @!p0 $0xF7A, s2;
	p2 =	seq.s32 @!p0 s5, $0x0  }
0x1f: {  	s9 =	smul.u32 $0xF7A, s1;
	s8 =	simm.s32 @!p0 $0x1BF5;
	p2 =	por !p2, p0  }
0x20: {  	[sflag:s8] =	ssyncset.s32 @!p0 $0xFFFFF086;
	s6 =	sadd.s32 @!p0 s3, s7;
	s7 =	simm.s32 @!p0 $0x108  }
0x21: {  	s3 =	sadd.s32 s3, s9;
	s6 =	sadd.s32 @!p0 $0x88, s6;
	s7 =	simm.s32 @p2 $0x1082  }
0x22: {  	[simem:s7], [sflag:s8] =	dma.local @!p0 [hbm:s6], $0xF7A  }
0x23: {  	s9 =	sor.u32 $0xD0000000, s2;
	s6 =	simm.s32 $0x108;
	_ =	swait.ge @!p0 [sflag:s8], $0x0  }
0x24: {  	s3 =	sadd.s32 $0x88, s3;
	s6 =	simm.s32 @!p1 $0x1082;
	[sflag:s4] =	ssyncset.s32 $0xFFFFF086  }
0x25: {  	[simem:s6], [sflag:s4] =	dma.local [hbm:s3], $0xF7A  }
0x26: {  	[smem:$0x3F9B] =	sst s1;
	(tag) =	ssettag s2;
	_ =	strace s9  }
0x27: {  	s1 =	sld [smem:$0x3FAB]  }
0x28: {  	s2 =	sld [smem:$0x3FAC]  }
0x29: {  	s4 =	sld [smem:$0x3FAE]  }
0x2a: {  	p0 =	seq.s32 s5, $0x0;
	s5 =	sld [smem:$0x3FAF]  }
0x2b: {  	s6 =	sld [smem:$0x3FB0]  }
0x2c: {  	s7 =	sld [smem:$0x3FB1]  }
0x2d: {  	s3 =	simm.s32 $0x108;
	s8 =	sld [smem:$0x3FB2]  }
0x2e: {  	s3 =	simm.s32 @!p0 $0x1082;
	s9 =	sld [smem:$0x3FB3]  }
0x2f: {  	lr =	sadd.s32 s0, s3;
	s0 =	sld [smem:$0x3FAA]  }
0x30: {  	s3 =	sld [smem:$0x3FAD]  }
0x31: {  	[smem:$0x3FB6] =	sst s10  }
0x32: {  	s10 =	sld [smem:$0x3FB4];
	_ =	sdelay $0x3  }
0x33: {  	p0 =	seq.s32 s10, $0x1;
	s10 =	sld [smem:$0x3FB6];
	_ =	sdelay $0x3  }
0x34: {  	[smem:$0x3FB6] =	sst s10  }
0x35: {  	s10 =	sld [smem:$0x3FB5];
	_ =	sdelay $0x3  }
0x36: {  	p1 =	seq.s32 s10, $0x1;
	s10 =	sld [smem:$0x3FB6];
	_ =	sdelay $0x3  }
0x37: {  	[smem:$0x3FB6] =	sst s10  }
0x38: {  	s10 =	sld [smem:$0x3FB7]  }
0x39: {  	_ = 	snop;
	(pc) =	sbr.ind lr, $3  }
0x3a: {  	_ = 	snop  }
0x3b: {  	_ = 	snop  }
0x3c: {  	p2 =	seq.s32 s10, $0x1;
	s10 =	sld [smem:$0x3FB6]  }
0x3d: {  	_ =	shalt  }
0x3e: {  	_ =	shalt  }
0x3f: {  	_ =	shalt  }
0x40: {  	_ =	shalt  }
0x41: {  	_ =	shalt  }
0x42: {  	_ =	shalt  }
0x43: {  	_ =	shalt  }
0x44: {  	_ =	shalt  }
0x45: {  	_ =	shalt  }
0x46: {  	_ =	shalt  }
0x47: {  	_ =	shalt  }
0x48: {  	_ =	shalt  }
0x49: {  	_ =	shalt  }
0x4a: {  	_ =	shalt  }
0x4b: {  	_ =	shalt  }
0x4c: {  	_ =	shalt  }
0x4d: {  	_ =	shalt  }
0x4e: {  	_ =	shalt  }
0x4f: {  	_ =	shalt  }
0x50: {  	_ =	shalt  }
0x51: {  	_ =	shalt  }
0x52: {  	_ =	shalt  }
0x53: {  	_ =	shalt  }
0x54: {  	_ =	shalt  }
0x55: {  	_ =	shalt  }
0x56: {  	_ =	shalt  }
0x57: {  	_ =	shalt  }
0x58: {  	_ =	shalt  }
0x59: {  	_ =	shalt  }
0x5a: {  	_ =	shalt  }
0x5b: {  	_ =	shalt  }
0x5c: {  	_ =	shalt  }
0x5d: {  	_ =	shalt  }
0x5e: {  	_ =	shalt  }
0x5f: {  	_ =	shalt  }
0x60: {  	_ =	shalt  }
0x61: {  	_ =	shalt  }
0x62: {  	_ =	shalt  }
0x63: {  	_ =	shalt  }
0x64: {  	_ =	shalt  }
0x65: {  	_ =	shalt  }
0x66: {  	_ =	shalt  }
0x67: {  	_ =	shalt  }
0x68: {  	_ =	shalt  }
0x69: {  	_ =	shalt  }
0x6a: {  	_ =	shalt  }
0x6b: {  	_ =	shalt  }
0x6c: {  	_ =	shalt  }
0x6d: {  	_ =	shalt  }
0x6e: {  	_ =	shalt  }
0x6f: {  	_ =	shalt  }
0x70: {  	_ =	shalt  }
0x71: {  	_ =	shalt  }
0x72: {  	_ =	shalt  }
0x73: {  	_ =	shalt  }
0x74: {  	_ =	shalt  }
0x75: {  	_ =	shalt  }
0x76: {  	_ =	shalt  }
0x77: {  	_ =	shalt  }
0x78: {  	_ =	shalt  }
0x79: {  	_ =	shalt  }
0x7a: {  	_ =	shalt  }
0x7b: {  	_ =	shalt  }
0x7c: {  	_ =	shalt  }
0x7d: {  	_ =	shalt  }
0x7e: {  	_ =	shalt  }
0x7f: {  	_ =	shalt  }
0x80: {  	_ =	shalt  }
0x81: {  	_ =	shalt  }
0x82: {  	_ =	shalt  }
0x83: {  	_ =	shalt  }
0x84: {  	_ =	shalt  }
0x85: {  	_ =	shalt  }
0x86: {  	_ =	shalt  }
0x87: {  	_ =	shalt  }
.Lfunc_end0:
.L_simem_size_0:
called_computation_lowered:
.L_overlay_start_0:
0x88: {  	s2 =	sld [smem:$0x3FD9]  }
0x89: {  	s3 =	sld [smem:$0x3FFE];
	_ =	sdelay $0x1  }
0x8a: {  	s1 =	srdreg.scid  }
0x8b: {  	s0 =	sand.u32 $0x1, s1  }
0x8c: {  	s17 =	sshll.u32 s0, $0xA;
	s2 =	sadd.s32 s3, s2  }
0x8d: {  	s2 =	sadd.s32 s2, s17  }
0x8e: {  	[smem:$0x3FC2] =	sst s2  }
0x8f: {  	_ = 	snop  }
0x90: {  	s2 =	sld [smem:$0x3FD0];
	(tm) =	ssettm $0x1  }
0x91: {  	s18 =	sld [smem:$0x3FFB];
	_ =	sdelay $0x3  }
0x92: {  	_ =	strace s18  }
0x93: {  	s3 =	sld [smem:$0x3FFC];
	_ =	sdelay $0x3  }
0x94: {  	_ =	strace s3  }
0x95: {  	s3 =	sld [smem:$0x3FFD];
	_ =	sdelay $0x3  }
0x96: {  	_ =	strace s3  }
0x97: {  	_ =	strace $0x8FFFFFFF  }
0x98: {  	s19 =	sld [smem:$0x3FDB];
	_ =	sdelay $0x1  }
0x99: {  	s4 =	simm.s32 $_scs_section_size  }
0x9a: {  	s5 =	simm.s32 $_size__tile_overlayer_lowered;
	s6 =	simm.s32 $_tile_overlayer_lowered  }
0x9b: {  	s22 =	simm.s32 $0x1BFF;
	s21 =	sshll.u32 s6, $0x1;
	s3 =	sadd.s32 s4, s19  }
0x9c: {  	s7 =	simm.s32 $0x0;
	s20 =	sshll.u32 s5, $0x1;
	s5 =	sadd.s32 s21, s3  }
0x9d: {  	[timem:s7], [sflag:s22] =	dma.local [hbm:s5], s20  }
0x9e: {  	_ =	swait.ge [sflag:s22], s20  }
0x9f: {  	s4 =	ssub.s32 $0x0, s20;
	[sflag:s22] =	ssyncset.done $0x0  }
0xa0: {  	[sflag:s22] =	ssyncadd.s32 s4;
	_ =	sdelay $0x1  }
0xa1: {  	s23 =	simm.s32 $0x1B8B  }
0xa2: {  	_ =	swait.ge [sflag:s23], $0x1  }
0xa3: {  	[sflag:s23] =	ssyncset.done $0x0  }
0xa4: {  	s25 =	simm.s32 $0x1B8E;
	s24 =	sld [smem:$0x3FFE];
	[sflag:s23] =	ssyncadd.s32 $0xFFFFFFFF  }
0xa5: {  	s26 =	simm.s32 $execute0_lowered;
	[smem:$0x3FD2] =	sst s25  }
0xa6: {  	s5 =	sshll.u32 s26, $0x1;
	_ =	strace $0x80000046;
	[dreg:$0x1] =	wrdreg $0xFFFFFFFF  }
0xa7: {  	s28 =	simm.s32 $_size_execute0_lowered;
	s3 =	sadd.s32 s3, s5;
	[dreg:$0x0] =	wrdreg $0x0  }
0xa8: {  	s5 =	sshll.u32 s28, $0x1;
	[dreg:$0x2] =	wrdreg s3  }
0xa9: {  	[dreg:$0x3] =	wrdreg s5  }
0xaa: {  	[dreg:$0x4] =	wrdreg $0xC0  }
0xab: {  	_ =	task [dreg:s7], $0x5FFFF  }
0xac: {  	[dreg:$0x1] =	wrdreg $0xFFFFFFFF  }
0xad: {  	[dreg:$0x0] =	wrdreg $0x60  }
0xae: {  	[dreg:$0x2] =	wrdreg s2  }
0xaf: {  	[dreg:$0x3] =	wrdreg s24  }
0xb0: {  	[dreg:$0x4] =	wrdreg $0x2B000  }
0xb1: {  	[dreg:$0x5] =	wrdreg $0x9  }
0xb2: {  	_ =	task.clear_ibuf [dreg:s7], $0x6FFFF;
	_ =	strace $0x90000046  }
0xb3: {  	s29 =	simm.s32 $0x9;
	_ =	strace $0x80000048  }
0xb4: {  	_ =	swait.ge [sflag:s29], $0x1  }
0xb5: {  	[sflag:s29] =	ssyncadd.s32 $0xFFFFFFFF  }
0xb6: {  	_ =	strace $0x90000048  }
0xb7: {  	_ =	sfence  }
0xb8: {  	s30 =	sld [smem:$0x0];
	_ =	sdelay $0x2  }
0xb9: {  	s31 =	sshll.u32 s1, $0xD;
	s1 =	sshrl.u32 s1, $0x2  }
0xba: {  	s3 =	sand.u32 $0x4000, s31;
	s1 =	sadd.s32 s1, s30  }
0xbb: {  	s0 =	sor.u32 s3, s0;
	s1 =	sshll.u32 s1, $0x11  }
0xbc: {  	s0 =	sor.u32 s1, s0  }
0xbd: {  	s0 =	sadd.s32 $0x8F2B, s0  }
0xbe: {  	[sflag:s0] =	ssyncadd.remote.s32 $0x1  }
0xbf: {  	_ =	sfence.sel $0xFFFF  }
0xc0: {  	[dreg:$0x0] =	wrdreg $0xFFFFFFFF;
	(pc) =	sbr.abs _section_cstart, $3  }
0xc1: {  	[dreg:$0x1] =	wrdreg $0xFFFFFFFF  }
0xc2: {  	_ =	task.clear_ibuf [dreg:s7], $0x2FFFF;
	_ =	strace $0x9FFFFFFF  }
0xc3: {  	(tm) =	ssettm $0x7FFFFFFF  }
tec
execute0_lowered:
.L_overlay_start_1:
0x0: {  	(tag) =	ssettag $0x1  }
0x1: {  	s7 =	rddreg [dreg:$0x0]  }
0x2: {  	s6 =	rddreg [dreg:$0x1]  }
0x3: {  	s1 =	rddreg [dreg:$0x2]  }
0x4: {  	s0 =	rddreg [dreg:$0x3];
	s3 =	simm.s32 $0x0  }
0x5: {  	s4 =	srdreg.scid;
	s2 =	stileid.u32;
	s13 =	simm.s32 $0x80  }
0x6: {  	s14 =	simm.s32 $0x100;
	s15 =	simm.s32 $0x0;
	[smem:$0x7FF] =	sst s3  }
0x7: {  	s8 =	sand.u32 $0x1, s4;
	s9 =	smul.u32 $0x500, s2;
	s4 =	sadd.s32 $0x2A00, s6  }
0x8: {  	s5 =	sadd.s32 $0x2C00, s6;
	s30 =	smul.u32 $0xA00, s2;
	s11 =	sshll.u32 s2, $0x1  }
0x9: {  	_ =	strace $0x80000047;
	s10 =	sshll.u32 s8, $0x7;
	s12 =	ssub.s32 $0x2, s8  }
0xa: {  	s8 =	sor.u32 s8, s11;
	s9 =	sor.u32 s10, s9;
	s31 =	sshrl.u32 s12, $0x1  }
0xb: {  	s10 =	sshrl.u32 s30, $0x2;
	s8 =	smul.u32 $0x500, s8;
	s9 =	sshrl.u32 s9, $0x3  }
0xc: {  	s11 =	ssub.s32 s12, s31;
	s12 =	simm.s32 $0x2800;
	s9 =	sadd.s32 s9, s6  }
0xd: {  	s6 =	sadd.s32 s10, s1;
	s7 =	sadd.s32 s7, s8;
	s10 =	simm.s32 $0x2880  }
0xe: {  	s8 =	sadd.s32 $0x2E00, s9;
	s9 =	smax.u32 s11, $0x1;
	s11 =	simm.s32 $0x1  }
.LBB2_1:
0xf: {  	[tilespmem:s10], [sflag:$0x1] =	stream.linear.gather [hbm4b:s5+s3], $0x280, $0x38;
	[tilespmem:$0x2D80] =	vst v63  }
0x10: {  	_ =	swait.ge [sflag:s11], $0x280  }
0x11: {  	[sflag:s11] =	ssyncset.done $0x0  }
0x12: {  	[sflag:s11] =	ssyncadd.s32 $0xFFFFFD80  }
0x13: {  	[spmem:s6] =	stream.linear.scatter [tilespmem:s10], [sflag:$0x1], $0x280, $0x38;
	[tilespmem:$0x2D80] =	vst v63  }
0x14: {  	_ =	swait.ge [sflag:s11], $0x280  }
0x15: {  	[sflag:s11] =	ssyncset.done $0x0  }
0x16: {  	[sflag:s11] =	ssyncadd.s32 $0xFFFFFD80  }
0x17: {  	[tilespmem:s12], [sflag:$0x1] =	stream.linear.gather [hbm4b:s4+s3], $0x80, $0x38;
	[tilespmem:$0x2D80] =	vst v63  }
0x18: {  	_ =	swait.ge [sflag:s11], $0x80  }
0x19: {  	[sflag:s11] =	ssyncset.done $0x0  }
0x1a: {  	[sflag:s11] =	ssyncadd.s32 $0xFFFFFF80  }
0x1b: {  	[tilespmem:s3], [sflag:$0x1] =	stream.linear.gather [hbm4b:s7+s3], $0x2800, $0x38;
	[tilespmem:$0x2D80] =	vst v63  }
0x1c: {  	_ =	swait.ge [sflag:s11], $0x2800  }
0x1d: {  	[sflag:s11] =	ssyncset.done $0x0  }
0x1e: {  	[sflag:s11] =	ssyncadd.s32 $0xFFFFD800  }
0x1f: {  	s16 =	simm.s32 $0x0;
	[bflag:$0x0] =	sbarrier.arrive $0xFFFF  }
0x20: {  	[spmem:s1] =	stream.indirect.scatter.add.f32 [tilespmem:s12], [sflag:$0x1], $0x1, s16, s13, $0xb8;
	[tilespmem:$0x2D80] =	vst v63  }
0x21: {  	_ =	swait.ge [sflag:s11], $0x80  }
0x22: {  	s16 =	simm.s32 $0x200;
	[sflag:s11] =	ssyncset.done $0x0  }
.LBB2_2:
0x23: {  	s17 =	sshra.s32 s16, $0x2;
	[sflag:s11] =	ssyncadd.s32 $0xFFFFFF80;
	p0 =	sne.s32 s16, $0x9E00  }
0x24: {  	[spmem:s1] =	stream.indirect.scatter.add.f32 [tilespmem:s12], [sflag:$0x1], $0x1, s17, s13, $0xb8;
	[tilespmem:$0x2D80] =	vst v63  }
.Ltmp0:
0x25: {  	_ = 	snop;
	(pc) =	sbr.rel @p0 .LBB2_2-.Ltmp0, $4  }
0x26: {  	_ = 	snop  }
0x27: {  	s16 =	sadd.s32 $0x200, s16  }
0x28: {  	_ =	swait.ge [sflag:s11], $0x80  }
0x29: {  	[sflag:s11] =	ssyncset.done $0x0  }
0x2a: {  	[sflag:s11] =	ssyncadd.s32 $0xFFFFFF80  }
0x2b: {  	[bflag:$0x0] =	sbarrier.arrive $0xFFFF  }
0x2c: {  	[tilespmem:s10], [sflag:$0x1] =	stream.linear.gather [spmem:s6], $0x280, $0x38;
	[tilespmem:$0x2D80] =	vst v63  }
0x2d: {  	s15 =	sadd.s32 $0x1, s15;
	_ =	swait.ge [sflag:s11], $0x280  }
0x2e: {  	p0 =	sne.s32 s15, s9;
	[sflag:s11] =	ssyncset.done $0x0  }
.Ltmp1:
0x2f: {  	[sflag:s11] =	ssyncadd.s32 $0xFFFFFD80;
	(pc) =	sbr.rel @p0 .LBB2_1-.Ltmp1, $4  }
0x30: {  	[hbm4b:s8+s13] =	stream.strided.scatter [tilespmem:s10], [sflag:$0x1], $0x280, s14, s13, $0x38;
	[tilespmem:$0x2D80] =	vst v63  }
0x31: {  	_ =	swait.ge [sflag:s11], $0x280  }
0x32: {  	[sflag:s11] =	ssyncset.done $0x0  }
0x33: {  	[sflag:s11] =	ssyncadd.s32 $0xFFFFFD80  }
0x34: {  	_ =	sfence.sel $0x180000  }
0x35: {  	[bflag:$0x0] =	sbarrier.arrive $0xFFFF  }
0x36: {  	p0 =	sne.s32 s2, $0x0;
	_ =	strace $0x90000047  }
0x37: {  	s0 =	sadd.s32 @!p0 $0x100000, s0;
	[bflag:$0x2] =	sbarrier.arrive $0xFFFF  }
0x38: {  	[sflag:s0] =	ssyncadd.tile.s32 @!p0 $0x1;
	_ =	shalt  }
.Lfunc_end2:
_tile_overlayer_lowered:
.L_overlay_start_2:
0x39: {  	(tag) =	ssettag $0x2  }
0x3a: {  	s0 =	rddreg [dreg:$0x0];
	s2 =	stileid.u32  }
0x3b: {  	s1 =	rddreg [dreg:$0x1];
	p0 =	sne.s32 s2, $0x0  }
0x3c: {  	s3 =	rddreg [dreg:$0x2];
	[bflag:$0x3] =	sbarrier.arrive $0xFFFF;
	s2 =	simm.s32 @!p0 $0x1C01  }
0x3d: {  	[timem:s3], [sflag:s2] =	dma.local @!p0 [hbm:s0], s1  }
0x3e: {  	s0 =	simm.s32 @!p0 $0x1  }
0x3f: {  	_ =	swait.ge @!p0 [sflag:s0], s1  }
0x40: {  	s1 =	ssub.s32 @!p0 $0x0, s1;
	[sflag:s0] =	ssyncset.done @!p0 $0x0  }
0x41: {  	[sflag:s0] =	ssyncadd.s32 @!p0 s1  }
0x42: {  	[bflag:$0x3] =	sbarrier.arrive $0xFFFF  }
0x43: {  	_ =	shalt  }

</sc_bundles>
